<compile_context>
chip_gen: v7x
topology: tpu7x:2x2x1
jax: 0.10.2.dev20260603
libtpu: 0.0.44.dev20260713+nightly
codegen_flags: <defaults>
</compile_context>

<pallas_src>
import functools

import jax
import jax.numpy as jnp
from jax import lax
from jax.experimental import pallas as pl
from jax.experimental.pallas import tpu as pltpu
from jax.experimental.pallas import tpu_sc as plsc

N = 10000
F = 128
B = 256
NC = 2
NS = 16
NW = NC * NS
RPW = 320
CHUNK = 64
NCHUNK = RPW // CHUNK
TAIL = N - (NW - 1) * RPW
TCH = TAIL // CHUNK
TREM = TAIL - TCH * CHUNK
SE = 384
NV = RPW // 16

_sc_mesh = plsc.VectorSubcoreMesh(core_axis_name="c", subcore_axis_name="s")


@functools.partial(
    pl.kernel,
    out_type=(
        jax.ShapeDtypeStruct((NC, B + 8, F), jnp.float32),
        jax.ShapeDtypeStruct((NW, SE), jnp.int32),
        jax.ShapeDtypeStruct((NW, SE), jnp.int32),
    ),
    mesh=_sc_mesh,
    compiler_params=pltpu.CompilerParams(needs_layout_passes=False),
    scratch_types=[
        pltpu.VMEM((RPW, F), jnp.float32),
        pltpu.VMEM((NCHUNK, CHUNK), jnp.int32),
        pltpu.VMEM((RPW + 16,), jnp.int32),
        pltpu.VMEM((SE,), jnp.int32),
        pltpu.VMEM((SE,), jnp.int32),
        pltpu.VMEM((16, F), jnp.float32),
        pltpu.VMEM_SHARED((B + 8, F), jnp.float32),
        pltpu.SemaphoreType.DMA,
    ],
)
def _sc_segsum(x_hbm, b_hbm, out_sum, out_st, out_en,
               rows_v, idx_v, ids_v, st_v, en_v, zb_v, acc_sh, sem):
    c = lax.axis_index("c")
    s = lax.axis_index("s")
    w = c * NS + s
    last = NW - 1

    @pl.when(w < last)
    def _start_rows():
        pltpu.async_copy(x_hbm.at[pl.ds(w * RPW, RPW)], rows_v, sem)

    @pl.when(w == last)
    def _start_rows_tail():
        pltpu.async_copy(x_hbm.at[pl.ds(last * RPW, TAIL)],
                         rows_v.at[pl.ds(0, TAIL)], sem)

    zeros16f = jnp.zeros((16,), jnp.float32)

    def _zfill(i, _):
        zb_v[i // (F // 16), pl.ds((i % (F // 16)) * 16, 16)] = zeros16f
        return 0

    lax.fori_loop(0, 16 * (F // 16), _zfill, 0)
    pltpu.sync_copy(zb_v, acc_sh.at[pl.ds(s * 16, 16)])

    @pl.when(w < last)
    def _load_ids():
        for j in range(NCHUNK):
            pltpu.sync_copy(b_hbm.at[pl.ds(w * RPW + j * CHUNK, CHUNK)],
                            idx_v.at[j])
        pltpu.sync_copy(b_hbm.at[pl.ds(w * RPW, RPW + 16)], ids_v)

    @pl.when(w == last)
    def _load_ids_tail():
        sent = jnp.full((16,), B, jnp.int32)

        def _fill_idx(k, _):
            idx_v[k // 4, pl.ds((k % 4) * 16, 16)] = sent
            return 0

        def _fill_ids(k, _):
            ids_v[pl.ds(k * 16, 16)] = sent
            return 0

        lax.fori_loop(0, NCHUNK * CHUNK // 16, _fill_idx, 0)
        lax.fori_loop(0, (RPW + 16) // 16, _fill_ids, 0)
        for j in range(TCH):
            pltpu.sync_copy(b_hbm.at[pl.ds(last * RPW + j * CHUNK, CHUNK)],
                            idx_v.at[j])
        pltpu.sync_copy(b_hbm.at[pl.ds(last * RPW + TCH * CHUNK, TREM)],
                        idx_v.at[TCH, pl.ds(0, TREM)])
        pltpu.sync_copy(b_hbm.at[pl.ds(last * RPW, TAIL)],
                        ids_v.at[pl.ds(0, TAIL)])

    zeros16 = jnp.zeros((16,), jnp.int32)

    def _zse(k, _):
        st_v[pl.ds(k * 16, 16)] = zeros16
        en_v[pl.ds(k * 16, 16)] = zeros16
        return 0

    lax.fori_loop(0, SE // 16, _zse, 0)
    iota = lax.iota(jnp.int32, 16)
    base = w * RPW

    def _bnd(p, _):
        idvec = ids_v[pl.ds(16 * p, 16)]
        idnext = ids_v[pl.ds(16 * p + 1, 16)]
        pos = iota + (base + 16 * p)
        m = idvec != idnext
        en_idx = jnp.where(m, idvec, SE - 1)
        st_idx = jnp.where(m, idnext, SE - 1)
        plsc.store_scatter(en_v, [en_idx], pos)
        plsc.store_scatter(st_v, [st_idx], pos + 1)
        return 0

    lax.fori_loop(0, NV, _bnd, 0)
    pltpu.sync_copy(st_v, out_st.at[w])
    pltpu.sync_copy(en_v, out_en.at[w])

    @pl.when(w < last)
    def _wait_rows():
        pltpu.make_async_copy(x_hbm.at[pl.ds(w * RPW, RPW)], rows_v, sem).wait()

    @pl.when(w == last)
    def _wait_rows_tail():
        pltpu.make_async_copy(x_hbm.at[pl.ds(last * RPW, TAIL)],
                              rows_v.at[pl.ds(0, TAIL)], sem).wait()

    plsc.subcore_barrier()
    for j in range(NCHUNK):
        pltpu.async_copy(rows_v.at[pl.ds(j * CHUNK, CHUNK)],
                         acc_sh.at[idx_v.at[j]], sem, add=True)
    for j in range(NCHUNK):
        pltpu.make_async_copy(rows_v.at[pl.ds(j * CHUNK, CHUNK)],
                              acc_sh.at[idx_v.at[j]], sem).wait()
    plsc.subcore_barrier()

    @pl.when(s == 0)
    def _push():
        pltpu.sync_copy(acc_sh, out_sum.at[c])


def _tc_mlp_body(ps_ref, st_ref, en_ref, u_ref, w1_ref, b1_ref,
                 w2_ref, b2_ref, w3_ref, b3_ref, o_ref):
    sums = ps_ref[0, 0:B, :] + ps_ref[1, 0:B, :]
    starts = jnp.sum(st_ref[:], axis=0)
    ends = jnp.sum(en_ref[:], axis=0)
    cnt = (ends - starts + 1).astype(jnp.float32)[0:B]
    recip = 1.0 / jnp.maximum(cnt, 1.0)
    eye = (lax.broadcasted_iota(jnp.int32, (B, B), 0) ==
           lax.broadcasted_iota(jnp.int32, (B, B), 1)).astype(jnp.float32)
    d = eye * recip
    xm = jnp.dot(d, sums, precision=lax.Precision.HIGHEST,
                 preferred_element_type=jnp.float32)
    h = lax.dot_general(u_ref[:], w1_ref[0:6, :], (((0,), (0,)), ((), ())),
                        preferred_element_type=jnp.float32)
    h = h + jnp.dot(xm, w1_ref[6:134, :], preferred_element_type=jnp.float32)
    h = jnp.maximum(h + b1_ref[:], 0.0)
    h = jnp.maximum(
        jnp.dot(h, w2_ref[:], preferred_element_type=jnp.float32) + b2_ref[:],
        0.0)
    o_ref[:] = (jnp.dot(h, w3_ref[:], preferred_element_type=jnp.float32)
                + b3_ref[:])


_tc_mlp = pl.pallas_call(
    _tc_mlp_body,
    out_shape=jax.ShapeDtypeStruct((B, 128), jnp.float32),
)


def kernel(x, edge_index, edge_attr, u, batch, W1, b1, W2, b2, W3, b3):
    del edge_index, edge_attr
    psum, st, en = _sc_segsum(x, batch)
    return _tc_mlp(psum, st, en, u.T, W1, b1.reshape(1, -1), W2,
                   b2.reshape(1, -1), W3, b3.reshape(1, -1))

# --- scband reference (transcript-rebuilt; emitter-appended) ---
"""Pipeline reference for scband-global-model-30777735643493 (READ-ONLY COPY).

The authoritative reference and input builder live on the scoring server;
editing this copy changes nothing except your own understanding.
"""

import jax, jax.numpy as jnp
import numpy as np

N = 10000
E = 320000
F = 128
B = 256
INS = 132
H = 512
OUT = 128


def setup_inputs(seed: int = 0) -> dict:
    key = jax.random.key(seed)
    ks = jax.random.split(key, 12)
    x = jax.random.normal(ks[0], (N, F), dtype=jnp.float32)
    edge_index = jax.random.randint(ks[1], (2, E), 0, N, dtype=jnp.int32)
    edge_attr = jax.random.normal(ks[2], (E, 4), dtype=jnp.float32)
    u = jax.random.normal(ks[3], (B, 6), dtype=jnp.float32)
    batch = jnp.sort(jax.random.randint(ks[4], (N,), 0, B, dtype=jnp.int32))
    # MLP parameters: Linear(ins+2, hiddens), Linear(hiddens, hiddens), Linear(hiddens, outs)
    W1 = jax.random.normal(ks[5], (INS + 2, H), dtype=jnp.float32) * (1.0 / np.sqrt(INS + 2))
    b1 = jnp.zeros((H,), dtype=jnp.float32)
    W2 = jax.random.normal(ks[6], (H, H), dtype=jnp.float32) * (1.0 / np.sqrt(H))
    b2 = jnp.zeros((H,), dtype=jnp.float32)
    W3 = jax.random.normal(ks[7], (H, OUT), dtype=jnp.float32) * (1.0 / np.sqrt(H))
    b3 = jnp.zeros((OUT,), dtype=jnp.float32)
    return {"x": x, "edge_index": edge_index, "edge_attr": edge_attr, "u": u,
            "batch": batch, "W1": W1, "b1": b1, "W2": W2, "b2": b2, "W3": W3, "b3": b3}


def reference(x, edge_index, edge_attr, u, batch, W1, b1, W2, b2, W3, b3):
    # u = u.view(-1, 6)
    u = u.reshape(-1, 6)
    # x = scatter_mean(x, batch, dim=0)  (mean of node features per graph)
    sums = jax.ops.segment_sum(x, batch, num_segments=B)
    counts = jnp.bincount(batch, length=B).astype(x.dtype)
    xm = sums / jnp.maximum(counts, 1.0)[:, None]
    # out = torch.cat([u, x], dim=1)
    out = jnp.concatenate([u, xm], axis=1)
    # global_mlp: Linear -> ReLU -> Linear -> ReLU -> Linear
    h = jax.nn.relu(out @ W1 + b1)
    h = jax.nn.relu(h @ W2 + b2)
    return h @ W3 + b3

if __name__ == "__main__":
    import jax
    _d = setup_inputs()
    print(jax.jit(kernel)(*tuple(_d.values())))

</pallas_src>

<mosaic_0001>
#map = affine_map<(d0, d1) -> (0, 0)>
#map1 = affine_map<(d0, d1) -> (0)>
#map2 = affine_map<(d0, d1) -> (0, 0, 0)>
module attributes {stable_mosaic.version = 14 : i64} {
  func.func @_sc_segsum(%arg0: i32, %arg1: i32, %arg2: memref<10000x128xf32, #tpu.memory_space<hbm>>, %arg3: memref<10000xi32, #tpu.memory_space<hbm>>, %arg4: memref<2x264x128xf32, #tpu.memory_space<hbm>>, %arg5: memref<32x384xi32, #tpu.memory_space<hbm>>, %arg6: memref<32x384xi32, #tpu.memory_space<hbm>>, %arg7: memref<320x128xf32, #tpu.memory_space<vmem>>, %arg8: memref<5x64xi32, #tpu.memory_space<vmem>>, %arg9: memref<336xi32, #tpu.memory_space<vmem>>, %arg10: memref<384xi32, #tpu.memory_space<vmem>>, %arg11: memref<384xi32, #tpu.memory_space<vmem>>, %arg12: memref<16x128xf32, #tpu.memory_space<vmem>>, %arg13: memref<264x128xf32, #tpu.memory_space<vmem_shared>>, %arg14: memref<!tpu.dma_semaphore, #tpu.memory_space<semaphore_mem>>) attributes {dimension_semantics = [#tpu.dimension_semantics<core_parallel>, #tpu.dimension_semantics<subcore_parallel>], iteration_bounds = array<i64: 2, 16>, scalar_prefetch = 0 : i64, scratch_operands = 8 : i64, tpu.core_type = #tpu.core_type<sc_vector_subcore>, window_params = [{transform_indices = #map}, {transform_indices = #map1}, {transform_indices = #map2}, {transform_indices = #map}, {transform_indices = #map}]} {
    %mul3A = arith.constant 16 : i32
    %mul3A_0 = arith.muli %arg0, %mul3A : i32
    %add3A = arith.addi %mul3A_0, %arg1 : i32
    %lt3A = arith.constant 31 : i32
    %lt3A_1 = arith.cmpi slt, %add3A, %lt3A : i32
    %convert_element_type3A = arith.extui %lt3A_1 : i1 to i32
    %cond3A = arith.constant 0 : i32
    %cond3A_2 = arith.cmpi ne, %convert_element_type3A, %cond3A : i32
    scf.if %cond3A_2 {
      %mul3A_158 = arith.constant 320 : i32
      %mul3A_159 = arith.muli %add3A, %mul3A_158 : i32
      %dma_start3A_160 = arith.constant 0 : i32
      %dma_start3A_161 = tpu.memref_slice %arg2[%mul3A_159, %dma_start3A_160] : memref<10000x128xf32, #tpu.memory_space<hbm>> -> memref<320x128xf32, #tpu.memory_space<hbm>>
      %dma_start3A_162 = arith.constant 0 : i32
      %dma_start3A_163 = tpu.memref_slice %arg2[%mul3A_159, %dma_start3A_162] : memref<10000x128xf32, #tpu.memory_space<hbm>> -> memref<320x128xf32, #tpu.memory_space<hbm>>
      tpu.enqueue_dma source(%dma_start3A_163 : memref<320x128xf32, #tpu.memory_space<hbm>>) target(%arg7 : memref<320x128xf32, #tpu.memory_space<vmem>>) target_semaphore(%arg14 : memref<!tpu.dma_semaphore, #tpu.memory_space<semaphore_mem>>)
    } else {
    }
    %eq3A = arith.constant 31 : i32
    %eq3A_3 = arith.cmpi eq, %add3A, %eq3A : i32
    %convert_element_type3A_4 = arith.extui %eq3A_3 : i1 to i32
    %cond3A_5 = arith.constant 0 : i32
    %cond3A_6 = arith.cmpi ne, %convert_element_type3A_4, %cond3A_5 : i32
    scf.if %cond3A_6 {
      %dma_start3A_158 = arith.constant 0 : i32
      %dma_start3A_159 = arith.constant 0 : i32
      %dma_start3A_160 = tpu.memref_slice %arg7[%dma_start3A_158, %dma_start3A_159] : memref<320x128xf32, #tpu.memory_space<vmem>> -> memref<80x128xf32, #tpu.memory_space<vmem>>
      %dma_start3A_161 = arith.constant 9920 : i32
      %dma_start3A_162 = arith.constant 0 : i32
      %dma_start3A_163 = tpu.memref_slice %arg2[%dma_start3A_161, %dma_start3A_162] : memref<10000x128xf32, #tpu.memory_space<hbm>> -> memref<80x128xf32, #tpu.memory_space<hbm>>
      %dma_start3A_164 = arith.constant 0 : i32
      %dma_start3A_165 = arith.constant 0 : i32
      %dma_start3A_166 = tpu.memref_slice %arg7[%dma_start3A_164, %dma_start3A_165] : memref<320x128xf32, #tpu.memory_space<vmem>> -> memref<80x128xf32, #tpu.memory_space<vmem>>
      %dma_start3A_167 = arith.constant 9920 : i32
      %dma_start3A_168 = arith.constant 0 : i32
      %dma_start3A_169 = tpu.memref_slice %arg2[%dma_start3A_167, %dma_start3A_168] : memref<10000x128xf32, #tpu.memory_space<hbm>> -> memref<80x128xf32, #tpu.memory_space<hbm>>
      tpu.enqueue_dma source(%dma_start3A_169 : memref<80x128xf32, #tpu.memory_space<hbm>>) target(%dma_start3A_166 : memref<80x128xf32, #tpu.memory_space<vmem>>) target_semaphore(%arg14 : memref<!tpu.dma_semaphore, #tpu.memory_space<semaphore_mem>>)
    } else {
    }
    %broadcast_in_dim3A = arith.constant 0.000000e+00 : f32
    %broadcast_in_dim3A_7 = vector.broadcast %broadcast_in_dim3A : f32 to vector<16xf32>
    %scan3A = arith.constant 0 : i32
    %scan3A_8 = arith.constant 0 : i32
    %scan3A_9 = arith.constant 128 : i32
    %scan3A_10 = arith.addi %scan3A_8, %scan3A_9 : i32
    %scan3A_11 = arith.constant 1 : i32
    %scan3A_12 = scf.for %scan3A_158 = %scan3A_8 to %scan3A_10 step %scan3A_11 iter_args(%scan3A_159 = %scan3A) -> (i32)  : i32 {
      %jit3A = arith.constant 8 : i32
      %div3A = arith.divsi %scan3A_158, %jit3A : i32
      %sign3A = arith.constant 0 : i32
      %sign3A_160 = arith.cmpi sgt, %scan3A_158, %sign3A : i32
      %sign3A_161 = arith.extui %sign3A_160 : i1 to i32
      %sign3A_162 = arith.constant 0 : i32
      %sign3A_163 = arith.cmpi slt, %scan3A_158, %sign3A_162 : i32
      %sign3A_164 = arith.extui %sign3A_163 : i1 to i32
      %sign3A_165 = arith.subi %sign3A_161, %sign3A_164 : i32
      %sign3A_166 = arith.constant 0 : i32
      %sign3A_167 = arith.cmpi sgt, %jit3A, %sign3A_166 : i32
      %sign3A_168 = arith.extui %sign3A_167 : i1 to i32
      %sign3A_169 = arith.constant 0 : i32
      %sign3A_170 = arith.cmpi slt, %jit3A, %sign3A_169 : i32
      %sign3A_171 = arith.extui %sign3A_170 : i1 to i32
      %sign3A_172 = arith.subi %sign3A_168, %sign3A_171 : i32
      %ne3A = arith.cmpi ne, %sign3A_165, %sign3A_172 : i32
      %rem3A = arith.remsi %scan3A_158, %jit3A : i32
      %ne3A_173 = arith.constant 0 : i32
      %ne3A_174 = arith.cmpi ne, %rem3A, %ne3A_173 : i32
      %and3A = arith.andi %ne3A, %ne3A_174 : i1
      %sub3A = arith.constant 1 : i32
      %sub3A_175 = arith.subi %div3A, %sub3A : i32
      %select_n3A = arith.select %and3A, %sub3A_175, %div3A : i32
      %jit3A_176 = arith.constant 8 : i32
      %eq3A_177 = arith.constant 0 : i32
      %eq3A_178 = arith.cmpi eq, %jit3A_176, %eq3A_177 : i32
      %jit3A_179 = arith.constant 1 : i32
      %select_n3A_180 = arith.select %eq3A_178, %jit3A_179, %jit3A_176 : i32
      %rem3A_181 = arith.remsi %scan3A_158, %select_n3A_180 : i32
      %ne3A_182 = arith.constant 0 : i32
      %ne3A_183 = arith.cmpi ne, %rem3A_181, %ne3A_182 : i32
      %lt3A_184 = arith.constant 0 : i32
      %lt3A_185 = arith.cmpi slt, %rem3A_181, %lt3A_184 : i32
      %lt3A_186 = arith.constant 0 : i32
      %lt3A_187 = arith.cmpi slt, %select_n3A_180, %lt3A_186 : i32
      %ne3A_188 = arith.xori %lt3A_185, %lt3A_187 : i1
      %and3A_189 = arith.andi %ne3A_188, %ne3A_183 : i1
      %add3A_190 = arith.addi %rem3A_181, %select_n3A_180 : i32
      %select_n3A_191 = arith.select %and3A_189, %add3A_190, %rem3A_181 : i32
      %mul3A_192 = arith.constant 16 : i32
      %mul3A_193 = arith.muli %select_n3A_191, %mul3A_192 : i32
      %swap3A = arith.index_cast %select_n3A : i32 to index
      %swap3A_194 = arith.index_cast %mul3A_193 : i32 to index
      %swap3A_195 = tpu.vector_load %arg12[%swap3A, %swap3A_194] {strides = array<i32>} : memref<16x128xf32, #tpu.memory_space<vmem>>, vector<16xf32>,
      tpu.vector_store %arg12[%swap3A, %swap3A_194], %broadcast_in_dim3A_7 {strides = array<i32>} : memref<16x128xf32, #tpu.memory_space<vmem>>, vector<16xf32>,
      %scan3A_196 = arith.constant 0 : i32
      scf.yield %scan3A_196 : i32
    }
    %scan3A_13 = arith.constant 128 : i32
    %mul3A_14 = arith.constant 16 : i32
    %mul3A_15 = arith.muli %arg1, %mul3A_14 : i32
    "tpu.region"() ({
      %run_scoped3A = tpu.sem_alloc : memref<!tpu.dma_semaphore, #tpu.memory_space<semaphore_mem>>
      %dma_start3A_158 = arith.constant 0 : i32
      %dma_start3A_159 = tpu.memref_slice %arg13[%mul3A_15, %dma_start3A_158] : memref<264x128xf32, #tpu.memory_space<vmem_shared>> -> memref<16x128xf32, #tpu.memory_space<vmem_shared>>
      %dma_start3A_160 = arith.constant 0 : i32
      %dma_start3A_161 = tpu.memref_slice %arg13[%mul3A_15, %dma_start3A_160] : memref<264x128xf32, #tpu.memory_space<vmem_shared>> -> memref<16x128xf32, #tpu.memory_space<vmem_shared>>
      tpu.enqueue_dma source(%arg12 : memref<16x128xf32, #tpu.memory_space<vmem>>) target(%dma_start3A_161 : memref<16x128xf32, #tpu.memory_space<vmem_shared>>) target_semaphore(%run_scoped3A : memref<!tpu.dma_semaphore, #tpu.memory_space<semaphore_mem>>)
      %dma_wait3A_162 = arith.constant 0 : i32
      %dma_wait3A_163 = tpu.memref_slice %arg13[%mul3A_15, %dma_wait3A_162] : memref<264x128xf32, #tpu.memory_space<vmem_shared>> -> memref<16x128xf32, #tpu.memory_space<vmem_shared>>
      %dma_wait3A_164 = arith.constant 0 : i32
      %dma_wait3A_165 = tpu.memref_slice %arg13[%mul3A_15, %dma_wait3A_164] : memref<264x128xf32, #tpu.memory_space<vmem_shared>> -> memref<16x128xf32, #tpu.memory_space<vmem_shared>>
      tpu.wait_dma2 semaphore(%run_scoped3A : memref<!tpu.dma_semaphore, #tpu.memory_space<semaphore_mem>>) src(%arg12 : memref<16x128xf32, #tpu.memory_space<vmem>>) dst(%dma_wait3A_165 : memref<16x128xf32, #tpu.memory_space<vmem_shared>>)
      tpu.yield
    }) : () -> ()
    %lt3A_16 = arith.constant 31 : i32
    %lt3A_17 = arith.cmpi slt, %add3A, %lt3A_16 : i32
    %convert_element_type3A_18 = arith.extui %lt3A_17 : i1 to i32
    %cond3A_19 = arith.constant 0 : i32
    %cond3A_20 = arith.cmpi ne, %convert_element_type3A_18, %cond3A_19 : i32
    scf.if %cond3A_20 {
      %mul3A_158 = arith.constant 320 : i32
      %mul3A_159 = arith.muli %add3A, %mul3A_158 : i32
      %add3A_160 = arith.constant 0 : i32
      %add3A_161 = arith.addi %mul3A_159, %add3A_160 : i32
      %run_scoped3A = arith.constant 0 : i32
      "tpu.region"() ({
        %run_scoped3A_184 = tpu.sem_alloc : memref<!tpu.dma_semaphore, #tpu.memory_space<semaphore_mem>>
        %dma_start3A_185 = arith.constant 0 : i32
        %dma_start3A_186 = tpu.memref_slice %arg8[%run_scoped3A, %dma_start3A_185] : memref<5x64xi32, #tpu.memory_space<vmem>> -> memref<1x64xi32, #tpu.memory_space<vmem>>
        %dma_start3A_187 = tpu.memref_squeeze %dma_start3A_186 : memref<1x64xi32, #tpu.memory_space<vmem>> -> memref<64xi32, #tpu.memory_space<vmem>>
        %dma_start3A_188 = tpu.memref_slice %arg3[%add3A_161] : memref<10000xi32, #tpu.memory_space<hbm>> -> memref<64xi32, #tpu.memory_space<hbm>>
        %dma_start3A_189 = arith.constant 0 : i32
        %dma_start3A_190 = tpu.memref_slice %arg8[%run_scoped3A, %dma_start3A_189] : memref<5x64xi32, #tpu.memory_space<vmem>> -> memref<1x64xi32, #tpu.memory_space<vmem>>
        %dma_start3A_191 = tpu.memref_squeeze %dma_start3A_190 : memref<1x64xi32, #tpu.memory_space<vmem>> -> memref<64xi32, #tpu.memory_space<vmem>>
        %dma_start3A_192 = tpu.memref_slice %arg3[%add3A_161] : memref<10000xi32, #tpu.memory_space<hbm>> -> memref<64xi32, #tpu.memory_space<hbm>>
        tpu.enqueue_dma source(%dma_start3A_192 : memref<64xi32, #tpu.memory_space<hbm>>) target(%dma_start3A_191 : memref<64xi32, #tpu.memory_space<vmem>>) target_semaphore(%run_scoped3A_184 : memref<!tpu.dma_semaphore, #tpu.memory_space<semaphore_mem>>)
        %dma_wait3A_193 = arith.constant 0 : i32
        %dma_wait3A_194 = tpu.memref_slice %arg8[%run_scoped3A, %dma_wait3A_193] : memref<5x64xi32, #tpu.memory_space<vmem>> -> memref<1x64xi32, #tpu.memory_space<vmem>>
        %dma_wait3A_195 = tpu.memref_squeeze %dma_wait3A_194 : memref<1x64xi32, #tpu.memory_space<vmem>> -> memref<64xi32, #tpu.memory_space<vmem>>
        %dma_wait3A_196 = tpu.memref_slice %arg3[%add3A_161] : memref<10000xi32, #tpu.memory_space<hbm>> -> memref<64xi32, #tpu.memory_space<hbm>>
        %dma_wait3A_197 = arith.constant 0 : i32
        %dma_wait3A_198 = tpu.memref_slice %arg8[%run_scoped3A, %dma_wait3A_197] : memref<5x64xi32, #tpu.memory_space<vmem>> -> memref<1x64xi32, #tpu.memory_space<vmem>>
        %dma_wait3A_199 = tpu.memref_squeeze %dma_wait3A_198 : memref<1x64xi32, #tpu.memory_space<vmem>> -> memref<64xi32, #tpu.memory_space<vmem>>
        %dma_wait3A_200 = tpu.memref_slice %arg3[%add3A_161] : memref<10000xi32, #tpu.memory_space<hbm>> -> memref<64xi32, #tpu.memory_space<hbm>>
        tpu.wait_dma2 semaphore(%run_scoped3A_184 : memref<!tpu.dma_semaphore, #tpu.memory_space<semaphore_mem>>) src(%dma_wait3A_200 : memref<64xi32, #tpu.memory_space<hbm>>) dst(%dma_wait3A_199 : memref<64xi32, #tpu.memory_space<vmem>>)
        tpu.yield
      }) : () -> ()
      %mul3A_162 = arith.constant 320 : i32
      %mul3A_163 = arith.muli %add3A, %mul3A_162 : i32
      %add3A_164 = arith.constant 64 : i32
      %add3A_165 = arith.addi %mul3A_163, %add3A_164 : i32
      %run_scoped3A_166 = arith.constant 1 : i32
      "tpu.region"() ({
        %run_scoped3A_184 = tpu.sem_alloc : memref<!tpu.dma_semaphore, #tpu.memory_space<semaphore_mem>>
        %dma_start3A_185 = arith.constant 0 : i32
        %dma_start3A_186 = tpu.memref_slice %arg8[%run_scoped3A_166, %dma_start3A_185] : memref<5x64xi32, #tpu.memory_space<vmem>> -> memref<1x64xi32, #tpu.memory_space<vmem>>
        %dma_start3A_187 = tpu.memref_squeeze %dma_start3A_186 : memref<1x64xi32, #tpu.memory_space<vmem>> -> memref<64xi32, #tpu.memory_space<vmem>>
        %dma_start3A_188 = tpu.memref_slice %arg3[%add3A_165] : memref<10000xi32, #tpu.memory_space<hbm>> -> memref<64xi32, #tpu.memory_space<hbm>>
        %dma_start3A_189 = arith.constant 0 : i32
        %dma_start3A_190 = tpu.memref_slice %arg8[%run_scoped3A_166, %dma_start3A_189] : memref<5x64xi32, #tpu.memory_space<vmem>> -> memref<1x64xi32, #tpu.memory_space<vmem>>
        %dma_start3A_191 = tpu.memref_squeeze %dma_start3A_190 : memref<1x64xi32, #tpu.memory_space<vmem>> -> memref<64xi32, #tpu.memory_space<vmem>>
        %dma_start3A_192 = tpu.memref_slice %arg3[%add3A_165] : memref<10000xi32, #tpu.memory_space<hbm>> -> memref<64xi32, #tpu.memory_space<hbm>>
        tpu.enqueue_dma source(%dma_start3A_192 : memref<64xi32, #tpu.memory_space<hbm>>) target(%dma_start3A_191 : memref<64xi32, #tpu.memory_space<vmem>>) target_semaphore(%run_scoped3A_184 : memref<!tpu.dma_semaphore, #tpu.memory_space<semaphore_mem>>)
        %dma_wait3A_193 = arith.constant 0 : i32
        %dma_wait3A_194 = tpu.memref_slice %arg8[%run_scoped3A_166, %dma_wait3A_193] : memref<5x64xi32, #tpu.memory_space<vmem>> -> memref<1x64xi32, #tpu.memory_space<vmem>>
        %dma_wait3A_195 = tpu.memref_squeeze %dma_wait3A_194 : memref<1x64xi32, #tpu.memory_space<vmem>> -> memref<64xi32, #tpu.memory_space<vmem>>
        %dma_wait3A_196 = tpu.memref_slice %arg3[%add3A_165] : memref<10000xi32, #tpu.memory_space<hbm>> -> memref<64xi32, #tpu.memory_space<hbm>>
        %dma_wait3A_197 = arith.constant 0 : i32
        %dma_wait3A_198 = tpu.memref_slice %arg8[%run_scoped3A_166, %dma_wait3A_197] : memref<5x64xi32, #tpu.memory_space<vmem>> -> memref<1x64xi32, #tpu.memory_space<vmem>>
        %dma_wait3A_199 = tpu.memref_squeeze %dma_wait3A_198 : memref<1x64xi32, #tpu.memory_space<vmem>> -> memref<64xi32, #tpu.memory_space<vmem>>
        %dma_wait3A_200 = tpu.memref_slice %arg3[%add3A_165] : memref<10000xi32, #tpu.memory_space<hbm>> -> memref<64xi32, #tpu.memory_space<hbm>>
        tpu.wait_dma2 semaphore(%run_scoped3A_184 : memref<!tpu.dma_semaphore, #tpu.memory_space<semaphore_mem>>) src(%dma_wait3A_200 : memref<64xi32, #tpu.memory_space<hbm>>) dst(%dma_wait3A_199 : memref<64xi32, #tpu.memory_space<vmem>>)
        tpu.yield
      }) : () -> ()
      %mul3A_167 = arith.constant 320 : i32
      %mul3A_168 = arith.muli %add3A, %mul3A_167 : i32
      %add3A_169 = arith.constant 128 : i32
      %add3A_170 = arith.addi %mul3A_168, %add3A_169 : i32
      %run_scoped3A_171 = arith.constant 2 : i32
      "tpu.region"() ({
        %run_scoped3A_184 = tpu.sem_alloc : memref<!tpu.dma_semaphore, #tpu.memory_space<semaphore_mem>>
        %dma_start3A_185 = arith.constant 0 : i32
        %dma_start3A_186 = tpu.memref_slice %arg8[%run_scoped3A_171, %dma_start3A_185] : memref<5x64xi32, #tpu.memory_space<vmem>> -> memref<1x64xi32, #tpu.memory_space<vmem>>
        %dma_start3A_187 = tpu.memref_squeeze %dma_start3A_186 : memref<1x64xi32, #tpu.memory_space<vmem>> -> memref<64xi32, #tpu.memory_space<vmem>>
        %dma_start3A_188 = tpu.memref_slice %arg3[%add3A_170] : memref<10000xi32, #tpu.memory_space<hbm>> -> memref<64xi32, #tpu.memory_space<hbm>>
        %dma_start3A_189 = arith.constant 0 : i32
        %dma_start3A_190 = tpu.memref_slice %arg8[%run_scoped3A_171, %dma_start3A_189] : memref<5x64xi32, #tpu.memory_space<vmem>> -> memref<1x64xi32, #tpu.memory_space<vmem>>
        %dma_start3A_191 = tpu.memref_squeeze %dma_start3A_190 : memref<1x64xi32, #tpu.memory_space<vmem>> -> memref<64xi32, #tpu.memory_space<vmem>>
        %dma_start3A_192 = tpu.memref_slice %arg3[%add3A_170] : memref<10000xi32, #tpu.memory_space<hbm>> -> memref<64xi32, #tpu.memory_space<hbm>>
        tpu.enqueue_dma source(%dma_start3A_192 : memref<64xi32, #tpu.memory_space<hbm>>) target(%dma_start3A_191 : memref<64xi32, #tpu.memory_space<vmem>>) target_semaphore(%run_scoped3A_184 : memref<!tpu.dma_semaphore, #tpu.memory_space<semaphore_mem>>)
        %dma_wait3A_193 = arith.constant 0 : i32
        %dma_wait3A_194 = tpu.memref_slice %arg8[%run_scoped3A_171, %dma_wait3A_193] : memref<5x64xi32, #tpu.memory_space<vmem>> -> memref<1x64xi32, #tpu.memory_space<vmem>>
        %dma_wait3A_195 = tpu.memref_squeeze %dma_wait3A_194 : memref<1x64xi32, #tpu.memory_space<vmem>> -> memref<64xi32, #tpu.memory_space<vmem>>
        %dma_wait3A_196 = tpu.memref_slice %arg3[%add3A_170] : memref<10000xi32, #tpu.memory_space<hbm>> -> memref<64xi32, #tpu.memory_space<hbm>>
        %dma_wait3A_197 = arith.constant 0 : i32
        %dma_wait3A_198 = tpu.memref_slice %arg8[%run_scoped3A_171, %dma_wait3A_197] : memref<5x64xi32, #tpu.memory_space<vmem>> -> memref<1x64xi32, #tpu.memory_space<vmem>>
        %dma_wait3A_199 = tpu.memref_squeeze %dma_wait3A_198 : memref<1x64xi32, #tpu.memory_space<vmem>> -> memref<64xi32, #tpu.memory_space<vmem>>
        %dma_wait3A_200 = tpu.memref_slice %arg3[%add3A_170] : memref<10000xi32, #tpu.memory_space<hbm>> -> memref<64xi32, #tpu.memory_space<hbm>>
        tpu.wait_dma2 semaphore(%run_scoped3A_184 : memref<!tpu.dma_semaphore, #tpu.memory_space<semaphore_mem>>) src(%dma_wait3A_200 : memref<64xi32, #tpu.memory_space<hbm>>) dst(%dma_wait3A_199 : memref<64xi32, #tpu.memory_space<vmem>>)
        tpu.yield
      }) : () -> ()
      %mul3A_172 = arith.constant 320 : i32
      %mul3A_173 = arith.muli %add3A, %mul3A_172 : i32
      %add3A_174 = arith.constant 192 : i32
      %add3A_175 = arith.addi %mul3A_173, %add3A_174 : i32
      %run_scoped3A_176 = arith.constant 3 : i32
      "tpu.region"() ({
        %run_scoped3A_184 = tpu.sem_alloc : memref<!tpu.dma_semaphore, #tpu.memory_space<semaphore_mem>>
        %dma_start3A_185 = arith.constant 0 : i32
        %dma_start3A_186 = tpu.memref_slice %arg8[%run_scoped3A_176, %dma_start3A_185] : memref<5x64xi32, #tpu.memory_space<vmem>> -> memref<1x64xi32, #tpu.memory_space<vmem>>
        %dma_start3A_187 = tpu.memref_squeeze %dma_start3A_186 : memref<1x64xi32, #tpu.memory_space<vmem>> -> memref<64xi32, #tpu.memory_space<vmem>>
        %dma_start3A_188 = tpu.memref_slice %arg3[%add3A_175] : memref<10000xi32, #tpu.memory_space<hbm>> -> memref<64xi32, #tpu.memory_space<hbm>>
        %dma_start3A_189 = arith.constant 0 : i32
        %dma_start3A_190 = tpu.memref_slice %arg8[%run_scoped3A_176, %dma_start3A_189] : memref<5x64xi32, #tpu.memory_space<vmem>> -> memref<1x64xi32, #tpu.memory_space<vmem>>
        %dma_start3A_191 = tpu.memref_squeeze %dma_start3A_190 : memref<1x64xi32, #tpu.memory_space<vmem>> -> memref<64xi32, #tpu.memory_space<vmem>>
        %dma_start3A_192 = tpu.memref_slice %arg3[%add3A_175] : memref<10000xi32, #tpu.memory_space<hbm>> -> memref<64xi32, #tpu.memory_space<hbm>>
        tpu.enqueue_dma source(%dma_start3A_192 : memref<64xi32, #tpu.memory_space<hbm>>) target(%dma_start3A_191 : memref<64xi32, #tpu.memory_space<vmem>>) target_semaphore(%run_scoped3A_184 : memref<!tpu.dma_semaphore, #tpu.memory_space<semaphore_mem>>)
        %dma_wait3A_193 = arith.constant 0 : i32
        %dma_wait3A_194 = tpu.memref_slice %arg8[%run_scoped3A_176, %dma_wait3A_193] : memref<5x64xi32, #tpu.memory_space<vmem>> -> memref<1x64xi32, #tpu.memory_space<vmem>>
        %dma_wait3A_195 = tpu.memref_squeeze %dma_wait3A_194 : memref<1x64xi32, #tpu.memory_space<vmem>> -> memref<64xi32, #tpu.memory_space<vmem>>
        %dma_wait3A_196 = tpu.memref_slice %arg3[%add3A_175] : memref<10000xi32, #tpu.memory_space<hbm>> -> memref<64xi32, #tpu.memory_space<hbm>>
        %dma_wait3A_197 = arith.constant 0 : i32
        %dma_wait3A_198 = tpu.memref_slice %arg8[%run_scoped3A_176, %dma_wait3A_197] : memref<5x64xi32, #tpu.memory_space<vmem>> -> memref<1x64xi32, #tpu.memory_space<vmem>>
        %dma_wait3A_199 = tpu.memref_squeeze %dma_wait3A_198 : memref<1x64xi32, #tpu.memory_space<vmem>> -> memref<64xi32, #tpu.memory_space<vmem>>
        %dma_wait3A_200 = tpu.memref_slice %arg3[%add3A_175] : memref<10000xi32, #tpu.memory_space<hbm>> -> memref<64xi32, #tpu.memory_space<hbm>>
        tpu.wait_dma2 semaphore(%run_scoped3A_184 : memref<!tpu.dma_semaphore, #tpu.memory_space<semaphore_mem>>) src(%dma_wait3A_200 : memref<64xi32, #tpu.memory_space<hbm>>) dst(%dma_wait3A_199 : memref<64xi32, #tpu.memory_space<vmem>>)
        tpu.yield
      }) : () -> ()
      %mul3A_177 = arith.constant 320 : i32
      %mul3A_178 = arith.muli %add3A, %mul3A_177 : i32
      %add3A_179 = arith.constant 256 : i32
      %add3A_180 = arith.addi %mul3A_178, %add3A_179 : i32
      %run_scoped3A_181 = arith.constant 4 : i32
      "tpu.region"() ({
        %run_scoped3A_184 = tpu.sem_alloc : memref<!tpu.dma_semaphore, #tpu.memory_space<semaphore_mem>>
        %dma_start3A_185 = arith.constant 0 : i32
        %dma_start3A_186 = tpu.memref_slice %arg8[%run_scoped3A_181, %dma_start3A_185] : memref<5x64xi32, #tpu.memory_space<vmem>> -> memref<1x64xi32, #tpu.memory_space<vmem>>
        %dma_start3A_187 = tpu.memref_squeeze %dma_start3A_186 : memref<1x64xi32, #tpu.memory_space<vmem>> -> memref<64xi32, #tpu.memory_space<vmem>>
        %dma_start3A_188 = tpu.memref_slice %arg3[%add3A_180] : memref<10000xi32, #tpu.memory_space<hbm>> -> memref<64xi32, #tpu.memory_space<hbm>>
        %dma_start3A_189 = arith.constant 0 : i32
        %dma_start3A_190 = tpu.memref_slice %arg8[%run_scoped3A_181, %dma_start3A_189] : memref<5x64xi32, #tpu.memory_space<vmem>> -> memref<1x64xi32, #tpu.memory_space<vmem>>
        %dma_start3A_191 = tpu.memref_squeeze %dma_start3A_190 : memref<1x64xi32, #tpu.memory_space<vmem>> -> memref<64xi32, #tpu.memory_space<vmem>>
        %dma_start3A_192 = tpu.memref_slice %arg3[%add3A_180] : memref<10000xi32, #tpu.memory_space<hbm>> -> memref<64xi32, #tpu.memory_space<hbm>>
        tpu.enqueue_dma source(%dma_start3A_192 : memref<64xi32, #tpu.memory_space<hbm>>) target(%dma_start3A_191 : memref<64xi32, #tpu.memory_space<vmem>>) target_semaphore(%run_scoped3A_184 : memref<!tpu.dma_semaphore, #tpu.memory_space<semaphore_mem>>)
        %dma_wait3A_193 = arith.constant 0 : i32
        %dma_wait3A_194 = tpu.memref_slice %arg8[%run_scoped3A_181, %dma_wait3A_193] : memref<5x64xi32, #tpu.memory_space<vmem>> -> memref<1x64xi32, #tpu.memory_space<vmem>>
        %dma_wait3A_195 = tpu.memref_squeeze %dma_wait3A_194 : memref<1x64xi32, #tpu.memory_space<vmem>> -> memref<64xi32, #tpu.memory_space<vmem>>
        %dma_wait3A_196 = tpu.memref_slice %arg3[%add3A_180] : memref<10000xi32, #tpu.memory_space<hbm>> -> memref<64xi32, #tpu.memory_space<hbm>>
        %dma_wait3A_197 = arith.constant 0 : i32
        %dma_wait3A_198 = tpu.memref_slice %arg8[%run_scoped3A_181, %dma_wait3A_197] : memref<5x64xi32, #tpu.memory_space<vmem>> -> memref<1x64xi32, #tpu.memory_space<vmem>>
        %dma_wait3A_199 = tpu.memref_squeeze %dma_wait3A_198 : memref<1x64xi32, #tpu.memory_space<vmem>> -> memref<64xi32, #tpu.memory_space<vmem>>
        %dma_wait3A_200 = tpu.memref_slice %arg3[%add3A_180] : memref<10000xi32, #tpu.memory_space<hbm>> -> memref<64xi32, #tpu.memory_space<hbm>>
        tpu.wait_dma2 semaphore(%run_scoped3A_184 : memref<!tpu.dma_semaphore, #tpu.memory_space<semaphore_mem>>) src(%dma_wait3A_200 : memref<64xi32, #tpu.memory_space<hbm>>) dst(%dma_wait3A_199 : memref<64xi32, #tpu.memory_space<vmem>>)
        tpu.yield
      }) : () -> ()
      %mul3A_182 = arith.constant 320 : i32
      %mul3A_183 = arith.muli %add3A, %mul3A_182 : i32
      "tpu.region"() ({
        %run_scoped3A_184 = tpu.sem_alloc : memref<!tpu.dma_semaphore, #tpu.memory_space<semaphore_mem>>
        %dma_start3A_185 = tpu.memref_slice %arg3[%mul3A_183] : memref<10000xi32, #tpu.memory_space<hbm>> -> memref<336xi32, #tpu.memory_space<hbm>>
        %dma_start3A_186 = tpu.memref_slice %arg3[%mul3A_183] : memref<10000xi32, #tpu.memory_space<hbm>> -> memref<336xi32, #tpu.memory_space<hbm>>
        tpu.enqueue_dma source(%dma_start3A_186 : memref<336xi32, #tpu.memory_space<hbm>>) target(%arg9 : memref<336xi32, #tpu.memory_space<vmem>>) target_semaphore(%run_scoped3A_184 : memref<!tpu.dma_semaphore, #tpu.memory_space<semaphore_mem>>)
        %dma_wait3A_187 = tpu.memref_slice %arg3[%mul3A_183] : memref<10000xi32, #tpu.memory_space<hbm>> -> memref<336xi32, #tpu.memory_space<hbm>>
        %dma_wait3A_188 = tpu.memref_slice %arg3[%mul3A_183] : memref<10000xi32, #tpu.memory_space<hbm>> -> memref<336xi32, #tpu.memory_space<hbm>>
        tpu.wait_dma2 semaphore(%run_scoped3A_184 : memref<!tpu.dma_semaphore, #tpu.memory_space<semaphore_mem>>) src(%dma_wait3A_188 : memref<336xi32, #tpu.memory_space<hbm>>) dst(%arg9 : memref<336xi32, #tpu.memory_space<vmem>>)
        tpu.yield
      }) : () -> ()
    } else {
    }
    %eq3A_21 = arith.constant 31 : i32
    %eq3A_22 = arith.cmpi eq, %add3A, %eq3A_21 : i32
    %convert_element_type3A_23 = arith.extui %eq3A_22 : i1 to i32
    %cond3A_24 = arith.constant 0 : i32
    %cond3A_25 = arith.cmpi ne, %convert_element_type3A_23, %cond3A_24 : i32
    scf.if %cond3A_25 {
      %broadcast_in_dim3A_158 = arith.constant 256 : i32
      %broadcast_in_dim3A_159 = vector.broadcast %broadcast_in_dim3A_158 : i32 to vector<16xi32>
      %scan3A_160 = arith.constant 0 : i32
      %scan3A_161 = arith.constant 0 : i32
      %scan3A_162 = arith.constant 20 : i32
      %scan3A_163 = arith.addi %scan3A_161, %scan3A_162 : i32
      %scan3A_164 = arith.constant 1 : i32
      %scan3A_165 = scf.for %scan3A_175 = %scan3A_161 to %scan3A_163 step %scan3A_164 iter_args(%scan3A_176 = %scan3A_160) -> (i32)  : i32 {
        %jit3A = arith.constant 4 : i32
        %div3A = arith.divsi %scan3A_175, %jit3A : i32
        %sign3A = arith.constant 0 : i32
        %sign3A_177 = arith.cmpi sgt, %scan3A_175, %sign3A : i32
        %sign3A_178 = arith.extui %sign3A_177 : i1 to i32
        %sign3A_179 = arith.constant 0 : i32
        %sign3A_180 = arith.cmpi slt, %scan3A_175, %sign3A_179 : i32
        %sign3A_181 = arith.extui %sign3A_180 : i1 to i32
        %sign3A_182 = arith.subi %sign3A_178, %sign3A_181 : i32
        %sign3A_183 = arith.constant 0 : i32
        %sign3A_184 = arith.cmpi sgt, %jit3A, %sign3A_183 : i32
        %sign3A_185 = arith.extui %sign3A_184 : i1 to i32
        %sign3A_186 = arith.constant 0 : i32
        %sign3A_187 = arith.cmpi slt, %jit3A, %sign3A_186 : i32
        %sign3A_188 = arith.extui %sign3A_187 : i1 to i32
        %sign3A_189 = arith.subi %sign3A_185, %sign3A_188 : i32
        %ne3A = arith.cmpi ne, %sign3A_182, %sign3A_189 : i32
        %rem3A = arith.remsi %scan3A_175, %jit3A : i32
        %ne3A_190 = arith.constant 0 : i32
        %ne3A_191 = arith.cmpi ne, %rem3A, %ne3A_190 : i32
        %and3A = arith.andi %ne3A, %ne3A_191 : i1
        %sub3A = arith.constant 1 : i32
        %sub3A_192 = arith.subi %div3A, %sub3A : i32
        %select_n3A = arith.select %and3A, %sub3A_192, %div3A : i32
        %jit3A_193 = arith.constant 4 : i32
        %eq3A_194 = arith.constant 0 : i32
        %eq3A_195 = arith.cmpi eq, %jit3A_193, %eq3A_194 : i32
        %jit3A_196 = arith.constant 1 : i32
        %select_n3A_197 = arith.select %eq3A_195, %jit3A_196, %jit3A_193 : i32
        %rem3A_198 = arith.remsi %scan3A_175, %select_n3A_197 : i32
        %ne3A_199 = arith.constant 0 : i32
        %ne3A_200 = arith.cmpi ne, %rem3A_198, %ne3A_199 : i32
        %lt3A_201 = arith.constant 0 : i32
        %lt3A_202 = arith.cmpi slt, %rem3A_198, %lt3A_201 : i32
        %lt3A_203 = arith.constant 0 : i32
        %lt3A_204 = arith.cmpi slt, %select_n3A_197, %lt3A_203 : i32
        %ne3A_205 = arith.xori %lt3A_202, %lt3A_204 : i1
        %and3A_206 = arith.andi %ne3A_205, %ne3A_200 : i1
        %add3A_207 = arith.addi %rem3A_198, %select_n3A_197 : i32
        %select_n3A_208 = arith.select %and3A_206, %add3A_207, %rem3A_198 : i32
        %mul3A_209 = arith.constant 16 : i32
        %mul3A_210 = arith.muli %select_n3A_208, %mul3A_209 : i32
        %swap3A = arith.index_cast %select_n3A : i32 to index
        %swap3A_211 = arith.index_cast %mul3A_210 : i32 to index
        %swap3A_212 = tpu.vector_load %arg8[%swap3A, %swap3A_211] {strides = array<i32>} : memref<5x64xi32, #tpu.memory_space<vmem>>, vector<16xi32>,
        tpu.vector_store %arg8[%swap3A, %swap3A_211], %broadcast_in_dim3A_159 {strides = array<i32>} : memref<5x64xi32, #tpu.memory_space<vmem>>, vector<16xi32>,
        %scan3A_213 = arith.constant 0 : i32
        scf.yield %scan3A_213 : i32
      }
      %scan3A_166 = arith.constant 20 : i32
      %scan3A_167 = arith.constant 0 : i32
      %scan3A_168 = arith.constant 0 : i32
      %scan3A_169 = arith.constant 21 : i32
      %scan3A_170 = arith.addi %scan3A_168, %scan3A_169 : i32
      %scan3A_171 = arith.constant 1 : i32
      %scan3A_172 = scf.for %scan3A_175 = %scan3A_168 to %scan3A_170 step %scan3A_171 iter_args(%scan3A_176 = %scan3A_167) -> (i32)  : i32 {
        %mul3A_177 = arith.constant 16 : i32
        %mul3A_178 = arith.muli %scan3A_175, %mul3A_177 : i32
        %swap3A = arith.index_cast %mul3A_178 : i32 to index
        %swap3A_179 = tpu.vector_load %arg9[%swap3A] {strides = array<i32>} : memref<336xi32, #tpu.memory_space<vmem>>, vector<16xi32>,
        tpu.vector_store %arg9[%swap3A], %broadcast_in_dim3A_159 {strides = array<i32>} : memref<336xi32, #tpu.memory_space<vmem>>, vector<16xi32>,
        %scan3A_180 = arith.constant 0 : i32
        scf.yield %scan3A_180 : i32
      }
      %scan3A_173 = arith.constant 21 : i32
      %run_scoped3A = arith.constant 0 : i32
      "tpu.region"() ({
        %run_scoped3A_175 = tpu.sem_alloc : memref<!tpu.dma_semaphore, #tpu.memory_space<semaphore_mem>>
        %dma_start3A_176 = arith.constant 0 : i32
        %dma_start3A_177 = tpu.memref_slice %arg8[%run_scoped3A, %dma_start3A_176] : memref<5x64xi32, #tpu.memory_space<vmem>> -> memref<1x64xi32, #tpu.memory_space<vmem>>
        %dma_start3A_178 = tpu.memref_squeeze %dma_start3A_177 : memref<1x64xi32, #tpu.memory_space<vmem>> -> memref<64xi32, #tpu.memory_space<vmem>>
        %dma_start3A_179 = arith.constant 9920 : i32
        %dma_start3A_180 = tpu.memref_slice %arg3[%dma_start3A_179] : memref<10000xi32, #tpu.memory_space<hbm>> -> memref<64xi32, #tpu.memory_space<hbm>>
        %dma_start3A_181 = arith.constant 0 : i32
        %dma_start3A_182 = tpu.memref_slice %arg8[%run_scoped3A, %dma_start3A_181] : memref<5x64xi32, #tpu.memory_space<vmem>> -> memref<1x64xi32, #tpu.memory_space<vmem>>
        %dma_start3A_183 = tpu.memref_squeeze %dma_start3A_182 : memref<1x64xi32, #tpu.memory_space<vmem>> -> memref<64xi32, #tpu.memory_space<vmem>>
        %dma_start3A_184 = arith.constant 9920 : i32
        %dma_start3A_185 = tpu.memref_slice %arg3[%dma_start3A_184] : memref<10000xi32, #tpu.memory_space<hbm>> -> memref<64xi32, #tpu.memory_space<hbm>>
        tpu.enqueue_dma source(%dma_start3A_185 : memref<64xi32, #tpu.memory_space<hbm>>) target(%dma_start3A_183 : memref<64xi32, #tpu.memory_space<vmem>>) target_semaphore(%run_scoped3A_175 : memref<!tpu.dma_semaphore, #tpu.memory_space<semaphore_mem>>)
        %dma_wait3A_186 = arith.constant 0 : i32
        %dma_wait3A_187 = tpu.memref_slice %arg8[%run_scoped3A, %dma_wait3A_186] : memref<5x64xi32, #tpu.memory_space<vmem>> -> memref<1x64xi32, #tpu.memory_space<vmem>>
        %dma_wait3A_188 = tpu.memref_squeeze %dma_wait3A_187 : memref<1x64xi32, #tpu.memory_space<vmem>> -> memref<64xi32, #tpu.memory_space<vmem>>
        %dma_wait3A_189 = arith.constant 9920 : i32
        %dma_wait3A_190 = tpu.memref_slice %arg3[%dma_wait3A_189] : memref<10000xi32, #tpu.memory_space<hbm>> -> memref<64xi32, #tpu.memory_space<hbm>>
        %dma_wait3A_191 = arith.constant 0 : i32
        %dma_wait3A_192 = tpu.memref_slice %arg8[%run_scoped3A, %dma_wait3A_191] : memref<5x64xi32, #tpu.memory_space<vmem>> -> memref<1x64xi32, #tpu.memory_space<vmem>>
        %dma_wait3A_193 = tpu.memref_squeeze %dma_wait3A_192 : memref<1x64xi32, #tpu.memory_space<vmem>> -> memref<64xi32, #tpu.memory_space<vmem>>
        %dma_wait3A_194 = arith.constant 9920 : i32
        %dma_wait3A_195 = tpu.memref_slice %arg3[%dma_wait3A_194] : memref<10000xi32, #tpu.memory_space<hbm>> -> memref<64xi32, #tpu.memory_space<hbm>>
        tpu.wait_dma2 semaphore(%run_scoped3A_175 : memref<!tpu.dma_semaphore, #tpu.memory_space<semaphore_mem>>) src(%dma_wait3A_195 : memref<64xi32, #tpu.memory_space<hbm>>) dst(%dma_wait3A_193 : memref<64xi32, #tpu.memory_space<vmem>>)
        tpu.yield
      }) : () -> ()
      %run_scoped3A_174 = arith.constant 1 : i32
      "tpu.region"() ({
        %run_scoped3A_175 = tpu.sem_alloc : memref<!tpu.dma_semaphore, #tpu.memory_space<semaphore_mem>>
        %dma_start3A_176 = arith.constant 0 : i32
        %dma_start3A_177 = tpu.memref_slice %arg8[%run_scoped3A_174, %dma_start3A_176] : memref<5x64xi32, #tpu.memory_space<vmem>> -> memref<1x16xi32, #tpu.memory_space<vmem>>
        %dma_start3A_178 = tpu.memref_squeeze %dma_start3A_177 : memref<1x16xi32, #tpu.memory_space<vmem>> -> memref<16xi32, #tpu.memory_space<vmem>>
        %dma_start3A_179 = arith.constant 9984 : i32
        %dma_start3A_180 = tpu.memref_slice %arg3[%dma_start3A_179] : memref<10000xi32, #tpu.memory_space<hbm>> -> memref<16xi32, #tpu.memory_space<hbm>>
        %dma_start3A_181 = arith.constant 0 : i32
        %dma_start3A_182 = tpu.memref_slice %arg8[%run_scoped3A_174, %dma_start3A_181] : memref<5x64xi32, #tpu.memory_space<vmem>> -> memref<1x16xi32, #tpu.memory_space<vmem>>
        %dma_start3A_183 = tpu.memref_squeeze %dma_start3A_182 : memref<1x16xi32, #tpu.memory_space<vmem>> -> memref<16xi32, #tpu.memory_space<vmem>>
        %dma_start3A_184 = arith.constant 9984 : i32
        %dma_start3A_185 = tpu.memref_slice %arg3[%dma_start3A_184] : memref<10000xi32, #tpu.memory_space<hbm>> -> memref<16xi32, #tpu.memory_space<hbm>>
        tpu.enqueue_dma source(%dma_start3A_185 : memref<16xi32, #tpu.memory_space<hbm>>) target(%dma_start3A_183 : memref<16xi32, #tpu.memory_space<vmem>>) target_semaphore(%run_scoped3A_175 : memref<!tpu.dma_semaphore, #tpu.memory_space<semaphore_mem>>)
        %dma_wait3A_186 = arith.constant 0 : i32
        %dma_wait3A_187 = tpu.memref_slice %arg8[%run_scoped3A_174, %dma_wait3A_186] : memref<5x64xi32, #tpu.memory_space<vmem>> -> memref<1x16xi32, #tpu.memory_space<vmem>>
        %dma_wait3A_188 = tpu.memref_squeeze %dma_wait3A_187 : memref<1x16xi32, #tpu.memory_space<vmem>> -> memref<16xi32, #tpu.memory_space<vmem>>
        %dma_wait3A_189 = arith.constant 9984 : i32
        %dma_wait3A_190 = tpu.memref_slice %arg3[%dma_wait3A_189] : memref<10000xi32, #tpu.memory_space<hbm>> -> memref<16xi32, #tpu.memory_space<hbm>>
        %dma_wait3A_191 = arith.constant 0 : i32
        %dma_wait3A_192 = tpu.memref_slice %arg8[%run_scoped3A_174, %dma_wait3A_191] : memref<5x64xi32, #tpu.memory_space<vmem>> -> memref<1x16xi32, #tpu.memory_space<vmem>>
        %dma_wait3A_193 = tpu.memref_squeeze %dma_wait3A_192 : memref<1x16xi32, #tpu.memory_space<vmem>> -> memref<16xi32, #tpu.memory_space<vmem>>
        %dma_wait3A_194 = arith.constant 9984 : i32
        %dma_wait3A_195 = tpu.memref_slice %arg3[%dma_wait3A_194] : memref<10000xi32, #tpu.memory_space<hbm>> -> memref<16xi32, #tpu.memory_space<hbm>>
        tpu.wait_dma2 semaphore(%run_scoped3A_175 : memref<!tpu.dma_semaphore, #tpu.memory_space<semaphore_mem>>) src(%dma_wait3A_195 : memref<16xi32, #tpu.memory_space<hbm>>) dst(%dma_wait3A_193 : memref<16xi32, #tpu.memory_space<vmem>>)
        tpu.yield
      }) : () -> ()
      "tpu.region"() ({
        %run_scoped3A_175 = tpu.sem_alloc : memref<!tpu.dma_semaphore, #tpu.memory_space<semaphore_mem>>
        %dma_start3A_176 = arith.constant 0 : i32
        %dma_start3A_177 = tpu.memref_slice %arg9[%dma_start3A_176] : memref<336xi32, #tpu.memory_space<vmem>> -> memref<80xi32, #tpu.memory_space<vmem>>
        %dma_start3A_178 = arith.constant 9920 : i32
        %dma_start3A_179 = tpu.memref_slice %arg3[%dma_start3A_178] : memref<10000xi32, #tpu.memory_space<hbm>> -> memref<80xi32, #tpu.memory_space<hbm>>
        %dma_start3A_180 = arith.constant 0 : i32
        %dma_start3A_181 = tpu.memref_slice %arg9[%dma_start3A_180] : memref<336xi32, #tpu.memory_space<vmem>> -> memref<80xi32, #tpu.memory_space<vmem>>
        %dma_start3A_182 = arith.constant 9920 : i32
        %dma_start3A_183 = tpu.memref_slice %arg3[%dma_start3A_182] : memref<10000xi32, #tpu.memory_space<hbm>> -> memref<80xi32, #tpu.memory_space<hbm>>
        tpu.enqueue_dma source(%dma_start3A_183 : memref<80xi32, #tpu.memory_space<hbm>>) target(%dma_start3A_181 : memref<80xi32, #tpu.memory_space<vmem>>) target_semaphore(%run_scoped3A_175 : memref<!tpu.dma_semaphore, #tpu.memory_space<semaphore_mem>>)
        %dma_wait3A_184 = arith.constant 0 : i32
        %dma_wait3A_185 = tpu.memref_slice %arg9[%dma_wait3A_184] : memref<336xi32, #tpu.memory_space<vmem>> -> memref<80xi32, #tpu.memory_space<vmem>>
        %dma_wait3A_186 = arith.constant 9920 : i32
        %dma_wait3A_187 = tpu.memref_slice %arg3[%dma_wait3A_186] : memref<10000xi32, #tpu.memory_space<hbm>> -> memref<80xi32, #tpu.memory_space<hbm>>
        %dma_wait3A_188 = arith.constant 0 : i32
        %dma_wait3A_189 = tpu.memref_slice %arg9[%dma_wait3A_188] : memref<336xi32, #tpu.memory_space<vmem>> -> memref<80xi32, #tpu.memory_space<vmem>>
        %dma_wait3A_190 = arith.constant 9920 : i32
        %dma_wait3A_191 = tpu.memref_slice %arg3[%dma_wait3A_190] : memref<10000xi32, #tpu.memory_space<hbm>> -> memref<80xi32, #tpu.memory_space<hbm>>
        tpu.wait_dma2 semaphore(%run_scoped3A_175 : memref<!tpu.dma_semaphore, #tpu.memory_space<semaphore_mem>>) src(%dma_wait3A_191 : memref<80xi32, #tpu.memory_space<hbm>>) dst(%dma_wait3A_189 : memref<80xi32, #tpu.memory_space<vmem>>)
        tpu.yield
      }) : () -> ()
    } else {
    }
    %broadcast_in_dim3A_26 = arith.constant 0 : i32
    %broadcast_in_dim3A_27 = vector.broadcast %broadcast_in_dim3A_26 : i32 to vector<16xi32>
    %scan3A_28 = arith.constant 0 : i32
    %scan3A_29 = arith.constant 0 : i32
    %scan3A_30 = arith.constant 24 : i32
    %scan3A_31 = arith.addi %scan3A_29, %scan3A_30 : i32
    %scan3A_32 = arith.constant 1 : i32
    %scan3A_33 = scf.for %scan3A_158 = %scan3A_29 to %scan3A_31 step %scan3A_32 iter_args(%scan3A_159 = %scan3A_28) -> (i32)  : i32 {
      %mul3A_160 = arith.constant 16 : i32
      %mul3A_161 = arith.muli %scan3A_158, %mul3A_160 : i32
      %swap3A = arith.index_cast %mul3A_161 : i32 to index
      %swap3A_162 = tpu.vector_load %arg10[%swap3A] {strides = array<i32>} : memref<384xi32, #tpu.memory_space<vmem>>, vector<16xi32>,
      tpu.vector_store %arg10[%swap3A], %broadcast_in_dim3A_27 {strides = array<i32>} : memref<384xi32, #tpu.memory_space<vmem>>, vector<16xi32>,
      %mul3A_163 = arith.constant 16 : i32
      %mul3A_164 = arith.muli %scan3A_158, %mul3A_163 : i32
      %swap3A_165 = arith.index_cast %mul3A_164 : i32 to index
      %swap3A_166 = tpu.vector_load %arg11[%swap3A_165] {strides = array<i32>} : memref<384xi32, #tpu.memory_space<vmem>>, vector<16xi32>,
      tpu.vector_store %arg11[%swap3A_165], %broadcast_in_dim3A_27 {strides = array<i32>} : memref<384xi32, #tpu.memory_space<vmem>>, vector<16xi32>,
      %scan3A_167 = arith.constant 0 : i32
      scf.yield %scan3A_167 : i32
    }
    %scan3A_34 = arith.constant 24 : i32
    %iota3A = tpu.iota {dimensions = array<i32: 0>} : vector<16xi32>
    %mul3A_35 = arith.constant 320 : i32
    %mul3A_36 = arith.muli %add3A, %mul3A_35 : i32
    %scan3A_37 = arith.constant 0 : i32
    %scan3A_38 = arith.constant 0 : i32
    %scan3A_39 = arith.constant 20 : i32
    %scan3A_40 = arith.addi %scan3A_38, %scan3A_39 : i32
    %scan3A_41 = arith.constant 1 : i32
    %scan3A_42 = scf.for %scan3A_158 = %scan3A_38 to %scan3A_40 step %scan3A_41 iter_args(%scan3A_159 = %scan3A_37) -> (i32)  : i32 {
      %mul3A_160 = arith.constant 16 : i32
      %mul3A_161 = arith.muli %mul3A_160, %scan3A_158 : i32
      %get3A = arith.index_cast %mul3A_161 : i32 to index
      %get3A_162 = tpu.vector_load %arg9[%get3A] {strides = array<i32>} : memref<336xi32, #tpu.memory_space<vmem>>, vector<16xi32>,
      %mul3A_163 = arith.constant 16 : i32
      %mul3A_164 = arith.muli %mul3A_163, %scan3A_158 : i32
      %add3A_165 = arith.constant 1 : i32
      %add3A_166 = arith.addi %mul3A_164, %add3A_165 : i32
      %get3A_167 = arith.index_cast %add3A_166 : i32 to index
      %get3A_168 = tpu.vector_load %arg9[%get3A_167] {strides = array<i32>} : memref<336xi32, #tpu.memory_space<vmem>>, vector<16xi32>,
      %mul3A_169 = arith.constant 16 : i32
      %mul3A_170 = arith.muli %mul3A_169, %scan3A_158 : i32
      %add3A_171 = arith.addi %mul3A_36, %mul3A_170 : i32
      %add3A_172 = vector.broadcast %add3A_171 : i32 to vector<16xi32>
      %add3A_173 = arith.addi %iota3A, %add3A_172 : vector<16xi32>
      %ne3A = arith.cmpi ne, %get3A_162, %get3A_168 : vector<16xi32>
      %jit3A = arith.constant 383 : i32
      %broadcast_in_dim3A_174 = vector.broadcast %jit3A : i32 to vector<16xi32>
      %select_n3A = arith.select %ne3A, %get3A_162, %broadcast_in_dim3A_174 : vector<16xi1>, vector<16xi32>
      %jit3A_175 = arith.constant 383 : i32
      %broadcast_in_dim3A_176 = vector.broadcast %jit3A_175 : i32 to vector<16xi32>
      %select_n3A_177 = arith.select %ne3A, %get3A_168, %broadcast_in_dim3A_176 : vector<16xi1>, vector<16xi32>
      tpu.vector_store_idx %arg11[%select_n3A], %add3A_173 : memref<384xi32, #tpu.memory_space<vmem>>[vector<16xi32>], vector<16xi32>,
      %add3A_178 = arith.constant 1 : i32
      %add3A_179 = vector.broadcast %add3A_178 : i32 to vector<16xi32>
      %add3A_180 = arith.addi %add3A_173, %add3A_179 : vector<16xi32>
      tpu.vector_store_idx %arg10[%select_n3A_177], %add3A_180 : memref<384xi32, #tpu.memory_space<vmem>>[vector<16xi32>], vector<16xi32>,
      %scan3A_181 = arith.constant 0 : i32
      scf.yield %scan3A_181 : i32
    }
    %scan3A_43 = arith.constant 20 : i32
    "tpu.region"() ({
      %run_scoped3A = tpu.sem_alloc : memref<!tpu.dma_semaphore, #tpu.memory_space<semaphore_mem>>
      %dma_start3A_158 = arith.constant 0 : i32
      %dma_start3A_159 = tpu.memref_slice %arg5[%add3A, %dma_start3A_158] : memref<32x384xi32, #tpu.memory_space<hbm>> -> memref<1x384xi32, #tpu.memory_space<hbm>>
      %dma_start3A_160 = tpu.memref_squeeze %dma_start3A_159 : memref<1x384xi32, #tpu.memory_space<hbm>> -> memref<384xi32, #tpu.memory_space<hbm>>
      %dma_start3A_161 = arith.constant 0 : i32
      %dma_start3A_162 = tpu.memref_slice %arg5[%add3A, %dma_start3A_161] : memref<32x384xi32, #tpu.memory_space<hbm>> -> memref<1x384xi32, #tpu.memory_space<hbm>>
      %dma_start3A_163 = tpu.memref_squeeze %dma_start3A_162 : memref<1x384xi32, #tpu.memory_space<hbm>> -> memref<384xi32, #tpu.memory_space<hbm>>
      tpu.enqueue_dma source(%arg10 : memref<384xi32, #tpu.memory_space<vmem>>) target(%dma_start3A_163 : memref<384xi32, #tpu.memory_space<hbm>>) target_semaphore(%run_scoped3A : memref<!tpu.dma_semaphore, #tpu.memory_space<semaphore_mem>>)
      %dma_wait3A_164 = arith.constant 0 : i32
      %dma_wait3A_165 = tpu.memref_slice %arg5[%add3A, %dma_wait3A_164] : memref<32x384xi32, #tpu.memory_space<hbm>> -> memref<1x384xi32, #tpu.memory_space<hbm>>
      %dma_wait3A_166 = tpu.memref_squeeze %dma_wait3A_165 : memref<1x384xi32, #tpu.memory_space<hbm>> -> memref<384xi32, #tpu.memory_space<hbm>>
      %dma_wait3A_167 = arith.constant 0 : i32
      %dma_wait3A_168 = tpu.memref_slice %arg5[%add3A, %dma_wait3A_167] : memref<32x384xi32, #tpu.memory_space<hbm>> -> memref<1x384xi32, #tpu.memory_space<hbm>>
      %dma_wait3A_169 = tpu.memref_squeeze %dma_wait3A_168 : memref<1x384xi32, #tpu.memory_space<hbm>> -> memref<384xi32, #tpu.memory_space<hbm>>
      tpu.wait_dma2 semaphore(%run_scoped3A : memref<!tpu.dma_semaphore, #tpu.memory_space<semaphore_mem>>) src(%arg10 : memref<384xi32, #tpu.memory_space<vmem>>) dst(%dma_wait3A_169 : memref<384xi32, #tpu.memory_space<hbm>>)
      tpu.yield
    }) : () -> ()
    "tpu.region"() ({
      %run_scoped3A = tpu.sem_alloc : memref<!tpu.dma_semaphore, #tpu.memory_space<semaphore_mem>>
      %dma_start3A_158 = arith.constant 0 : i32
      %dma_start3A_159 = tpu.memref_slice %arg6[%add3A, %dma_start3A_158] : memref<32x384xi32, #tpu.memory_space<hbm>> -> memref<1x384xi32, #tpu.memory_space<hbm>>
      %dma_start3A_160 = tpu.memref_squeeze %dma_start3A_159 : memref<1x384xi32, #tpu.memory_space<hbm>> -> memref<384xi32, #tpu.memory_space<hbm>>
      %dma_start3A_161 = arith.constant 0 : i32
      %dma_start3A_162 = tpu.memref_slice %arg6[%add3A, %dma_start3A_161] : memref<32x384xi32, #tpu.memory_space<hbm>> -> memref<1x384xi32, #tpu.memory_space<hbm>>
      %dma_start3A_163 = tpu.memref_squeeze %dma_start3A_162 : memref<1x384xi32, #tpu.memory_space<hbm>> -> memref<384xi32, #tpu.memory_space<hbm>>
      tpu.enqueue_dma source(%arg11 : memref<384xi32, #tpu.memory_space<vmem>>) target(%dma_start3A_163 : memref<384xi32, #tpu.memory_space<hbm>>) target_semaphore(%run_scoped3A : memref<!tpu.dma_semaphore, #tpu.memory_space<semaphore_mem>>)
      %dma_wait3A_164 = arith.constant 0 : i32
      %dma_wait3A_165 = tpu.memref_slice %arg6[%add3A, %dma_wait3A_164] : memref<32x384xi32, #tpu.memory_space<hbm>> -> memref<1x384xi32, #tpu.memory_space<hbm>>
      %dma_wait3A_166 = tpu.memref_squeeze %dma_wait3A_165 : memref<1x384xi32, #tpu.memory_space<hbm>> -> memref<384xi32, #tpu.memory_space<hbm>>
      %dma_wait3A_167 = arith.constant 0 : i32
      %dma_wait3A_168 = tpu.memref_slice %arg6[%add3A, %dma_wait3A_167] : memref<32x384xi32, #tpu.memory_space<hbm>> -> memref<1x384xi32, #tpu.memory_space<hbm>>
      %dma_wait3A_169 = tpu.memref_squeeze %dma_wait3A_168 : memref<1x384xi32, #tpu.memory_space<hbm>> -> memref<384xi32, #tpu.memory_space<hbm>>
      tpu.wait_dma2 semaphore(%run_scoped3A : memref<!tpu.dma_semaphore, #tpu.memory_space<semaphore_mem>>) src(%arg11 : memref<384xi32, #tpu.memory_space<vmem>>) dst(%dma_wait3A_169 : memref<384xi32, #tpu.memory_space<hbm>>)
      tpu.yield
    }) : () -> ()
    %lt3A_44 = arith.constant 31 : i32
    %lt3A_45 = arith.cmpi slt, %add3A, %lt3A_44 : i32
    %convert_element_type3A_46 = arith.extui %lt3A_45 : i1 to i32
    %cond3A_47 = arith.constant 0 : i32
    %cond3A_48 = arith.cmpi ne, %convert_element_type3A_46, %cond3A_47 : i32
    scf.if %cond3A_48 {
      %mul3A_158 = arith.constant 320 : i32
      %mul3A_159 = arith.muli %add3A, %mul3A_158 : i32
      %dma_wait3A_160 = arith.constant 0 : i32
      %dma_wait3A_161 = tpu.memref_slice %arg2[%mul3A_159, %dma_wait3A_160] : memref<10000x128xf32, #tpu.memory_space<hbm>> -> memref<320x128xf32, #tpu.memory_space<hbm>>
      %dma_wait3A_162 = arith.constant 0 : i32
      %dma_wait3A_163 = tpu.memref_slice %arg2[%mul3A_159, %dma_wait3A_162] : memref<10000x128xf32, #tpu.memory_space<hbm>> -> memref<320x128xf32, #tpu.memory_space<hbm>>
      tpu.wait_dma2 semaphore(%arg14 : memref<!tpu.dma_semaphore, #tpu.memory_space<semaphore_mem>>) src(%dma_wait3A_163 : memref<320x128xf32, #tpu.memory_space<hbm>>) dst(%arg7 : memref<320x128xf32, #tpu.memory_space<vmem>>)
    } else {
    }
    %eq3A_49 = arith.constant 31 : i32
    %eq3A_50 = arith.cmpi eq, %add3A, %eq3A_49 : i32
    %convert_element_type3A_51 = arith.extui %eq3A_50 : i1 to i32
    %cond3A_52 = arith.constant 0 : i32
    %cond3A_53 = arith.cmpi ne, %convert_element_type3A_51, %cond3A_52 : i32
    scf.if %cond3A_53 {
      %dma_wait3A_158 = arith.constant 0 : i32
      %dma_wait3A_159 = arith.constant 0 : i32
      %dma_wait3A_160 = tpu.memref_slice %arg7[%dma_wait3A_158, %dma_wait3A_159] : memref<320x128xf32, #tpu.memory_space<vmem>> -> memref<80x128xf32, #tpu.memory_space<vmem>>
      %dma_wait3A_161 = arith.constant 9920 : i32
      %dma_wait3A_162 = arith.constant 0 : i32
      %dma_wait3A_163 = tpu.memref_slice %arg2[%dma_wait3A_161, %dma_wait3A_162] : memref<10000x128xf32, #tpu.memory_space<hbm>> -> memref<80x128xf32, #tpu.memory_space<hbm>>
      %dma_wait3A_164 = arith.constant 0 : i32
      %dma_wait3A_165 = arith.constant 0 : i32
      %dma_wait3A_166 = tpu.memref_slice %arg7[%dma_wait3A_164, %dma_wait3A_165] : memref<320x128xf32, #tpu.memory_space<vmem>> -> memref<80x128xf32, #tpu.memory_space<vmem>>
      %dma_wait3A_167 = arith.constant 9920 : i32
      %dma_wait3A_168 = arith.constant 0 : i32
      %dma_wait3A_169 = tpu.memref_slice %arg2[%dma_wait3A_167, %dma_wait3A_168] : memref<10000x128xf32, #tpu.memory_space<hbm>> -> memref<80x128xf32, #tpu.memory_space<hbm>>
      tpu.wait_dma2 semaphore(%arg14 : memref<!tpu.dma_semaphore, #tpu.memory_space<semaphore_mem>>) src(%dma_wait3A_169 : memref<80x128xf32, #tpu.memory_space<hbm>>) dst(%dma_wait3A_166 : memref<80x128xf32, #tpu.memory_space<vmem>>)
    } else {
    }
    %barrier3A = arith.constant 0 : index
    tpu.barrier barrier_id(%barrier3A)
    %dma_start3A = arith.constant 0 : i32
    %dma_start3A_54 = arith.constant 0 : i32
    %dma_start3A_55 = arith.constant 0 : i32
    %dma_start3A_56 = tpu.memref_slice %arg7[%dma_start3A_54, %dma_start3A_55] : memref<320x128xf32, #tpu.memory_space<vmem>> -> memref<64x128xf32, #tpu.memory_space<vmem>>
    %dma_start3A_57 = arith.constant 0 : i32
    %dma_start3A_58 = tpu.memref_slice %arg8[%dma_start3A, %dma_start3A_57] : memref<5x64xi32, #tpu.memory_space<vmem>> -> memref<1x64xi32, #tpu.memory_space<vmem>>
    %dma_start3A_59 = tpu.memref_squeeze %dma_start3A_58 : memref<1x64xi32, #tpu.memory_space<vmem>> -> memref<64xi32, #tpu.memory_space<vmem>>
    %dma_start3A_60 = arith.constant 0 : i32
    %dma_start3A_61 = arith.constant 0 : i32
    %dma_start3A_62 = tpu.memref_slice %arg13[%dma_start3A_60, %dma_start3A_61] : memref<264x128xf32, #tpu.memory_space<vmem_shared>> -> memref<264x128xf32, #tpu.memory_space<vmem_shared>>
    tpu.enqueue_indirect_dma source(%dma_start3A_56 : memref<64x128xf32, #tpu.memory_space<vmem>>) target(%dma_start3A_62 : memref<264x128xf32, #tpu.memory_space<vmem_shared>>) offsets(%dma_start3A_59 : memref<64xi32, #tpu.memory_space<vmem>>) semaphore(%arg14 : memref<!tpu.dma_semaphore, #tpu.memory_space<semaphore_mem>>) {add = true}
    %dma_start3A_63 = arith.constant 1 : i32
    %dma_start3A_64 = arith.constant 64 : i32
    %dma_start3A_65 = arith.constant 0 : i32
    %dma_start3A_66 = tpu.memref_slice %arg7[%dma_start3A_64, %dma_start3A_65] : memref<320x128xf32, #tpu.memory_space<vmem>> -> memref<64x128xf32, #tpu.memory_space<vmem>>
    %dma_start3A_67 = arith.constant 0 : i32
    %dma_start3A_68 = tpu.memref_slice %arg8[%dma_start3A_63, %dma_start3A_67] : memref<5x64xi32, #tpu.memory_space<vmem>> -> memref<1x64xi32, #tpu.memory_space<vmem>>
    %dma_start3A_69 = tpu.memref_squeeze %dma_start3A_68 : memref<1x64xi32, #tpu.memory_space<vmem>> -> memref<64xi32, #tpu.memory_space<vmem>>
    %dma_start3A_70 = arith.constant 0 : i32
    %dma_start3A_71 = arith.constant 0 : i32
    %dma_start3A_72 = tpu.memref_slice %arg13[%dma_start3A_70, %dma_start3A_71] : memref<264x128xf32, #tpu.memory_space<vmem_shared>> -> memref<264x128xf32, #tpu.memory_space<vmem_shared>>
    tpu.enqueue_indirect_dma source(%dma_start3A_66 : memref<64x128xf32, #tpu.memory_space<vmem>>) target(%dma_start3A_72 : memref<264x128xf32, #tpu.memory_space<vmem_shared>>) offsets(%dma_start3A_69 : memref<64xi32, #tpu.memory_space<vmem>>) semaphore(%arg14 : memref<!tpu.dma_semaphore, #tpu.memory_space<semaphore_mem>>) {add = true}
    %dma_start3A_73 = arith.constant 2 : i32
    %dma_start3A_74 = arith.constant 128 : i32
    %dma_start3A_75 = arith.constant 0 : i32
    %dma_start3A_76 = tpu.memref_slice %arg7[%dma_start3A_74, %dma_start3A_75] : memref<320x128xf32, #tpu.memory_space<vmem>> -> memref<64x128xf32, #tpu.memory_space<vmem>>
    %dma_start3A_77 = arith.constant 0 : i32
    %dma_start3A_78 = tpu.memref_slice %arg8[%dma_start3A_73, %dma_start3A_77] : memref<5x64xi32, #tpu.memory_space<vmem>> -> memref<1x64xi32, #tpu.memory_space<vmem>>
    %dma_start3A_79 = tpu.memref_squeeze %dma_start3A_78 : memref<1x64xi32, #tpu.memory_space<vmem>> -> memref<64xi32, #tpu.memory_space<vmem>>
    %dma_start3A_80 = arith.constant 0 : i32
    %dma_start3A_81 = arith.constant 0 : i32
    %dma_start3A_82 = tpu.memref_slice %arg13[%dma_start3A_80, %dma_start3A_81] : memref<264x128xf32, #tpu.memory_space<vmem_shared>> -> memref<264x128xf32, #tpu.memory_space<vmem_shared>>
    tpu.enqueue_indirect_dma source(%dma_start3A_76 : memref<64x128xf32, #tpu.memory_space<vmem>>) target(%dma_start3A_82 : memref<264x128xf32, #tpu.memory_space<vmem_shared>>) offsets(%dma_start3A_79 : memref<64xi32, #tpu.memory_space<vmem>>) semaphore(%arg14 : memref<!tpu.dma_semaphore, #tpu.memory_space<semaphore_mem>>) {add = true}
    %dma_start3A_83 = arith.constant 3 : i32
    %dma_start3A_84 = arith.constant 192 : i32
    %dma_start3A_85 = arith.constant 0 : i32
    %dma_start3A_86 = tpu.memref_slice %arg7[%dma_start3A_84, %dma_start3A_85] : memref<320x128xf32, #tpu.memory_space<vmem>> -> memref<64x128xf32, #tpu.memory_space<vmem>>
    %dma_start3A_87 = arith.constant 0 : i32
    %dma_start3A_88 = tpu.memref_slice %arg8[%dma_start3A_83, %dma_start3A_87] : memref<5x64xi32, #tpu.memory_space<vmem>> -> memref<1x64xi32, #tpu.memory_space<vmem>>
    %dma_start3A_89 = tpu.memref_squeeze %dma_start3A_88 : memref<1x64xi32, #tpu.memory_space<vmem>> -> memref<64xi32, #tpu.memory_space<vmem>>
    %dma_start3A_90 = arith.constant 0 : i32
    %dma_start3A_91 = arith.constant 0 : i32
    %dma_start3A_92 = tpu.memref_slice %arg13[%dma_start3A_90, %dma_start3A_91] : memref<264x128xf32, #tpu.memory_space<vmem_shared>> -> memref<264x128xf32, #tpu.memory_space<vmem_shared>>
    tpu.enqueue_indirect_dma source(%dma_start3A_86 : memref<64x128xf32, #tpu.memory_space<vmem>>) target(%dma_start3A_92 : memref<264x128xf32, #tpu.memory_space<vmem_shared>>) offsets(%dma_start3A_89 : memref<64xi32, #tpu.memory_space<vmem>>) semaphore(%arg14 : memref<!tpu.dma_semaphore, #tpu.memory_space<semaphore_mem>>) {add = true}
    %dma_start3A_93 = arith.constant 4 : i32
    %dma_start3A_94 = arith.constant 256 : i32
    %dma_start3A_95 = arith.constant 0 : i32
    %dma_start3A_96 = tpu.memref_slice %arg7[%dma_start3A_94, %dma_start3A_95] : memref<320x128xf32, #tpu.memory_space<vmem>> -> memref<64x128xf32, #tpu.memory_space<vmem>>
    %dma_start3A_97 = arith.constant 0 : i32
    %dma_start3A_98 = tpu.memref_slice %arg8[%dma_start3A_93, %dma_start3A_97] : memref<5x64xi32, #tpu.memory_space<vmem>> -> memref<1x64xi32, #tpu.memory_space<vmem>>
    %dma_start3A_99 = tpu.memref_squeeze %dma_start3A_98 : memref<1x64xi32, #tpu.memory_space<vmem>> -> memref<64xi32, #tpu.memory_space<vmem>>
    %dma_start3A_100 = arith.constant 0 : i32
    %dma_start3A_101 = arith.constant 0 : i32
    %dma_start3A_102 = tpu.memref_slice %arg13[%dma_start3A_100, %dma_start3A_101] : memref<264x128xf32, #tpu.memory_space<vmem_shared>> -> memref<264x128xf32, #tpu.memory_space<vmem_shared>>
    tpu.enqueue_indirect_dma source(%dma_start3A_96 : memref<64x128xf32, #tpu.memory_space<vmem>>) target(%dma_start3A_102 : memref<264x128xf32, #tpu.memory_space<vmem_shared>>) offsets(%dma_start3A_99 : memref<64xi32, #tpu.memory_space<vmem>>) semaphore(%arg14 : memref<!tpu.dma_semaphore, #tpu.memory_space<semaphore_mem>>) {add = true}
    %dma_wait3A = arith.constant 0 : i32
    %dma_wait3A_103 = arith.constant 0 : i32
    %dma_wait3A_104 = arith.constant 0 : i32
    %dma_wait3A_105 = tpu.memref_slice %arg7[%dma_wait3A_103, %dma_wait3A_104] : memref<320x128xf32, #tpu.memory_space<vmem>> -> memref<64x128xf32, #tpu.memory_space<vmem>>
    %dma_wait3A_106 = arith.constant 0 : i32
    %dma_wait3A_107 = tpu.memref_slice %arg8[%dma_wait3A, %dma_wait3A_106] : memref<5x64xi32, #tpu.memory_space<vmem>> -> memref<1x64xi32, #tpu.memory_space<vmem>>
    %dma_wait3A_108 = tpu.memref_squeeze %dma_wait3A_107 : memref<1x64xi32, #tpu.memory_space<vmem>> -> memref<64xi32, #tpu.memory_space<vmem>>
    %dma_wait3A_109 = arith.constant 0 : i32
    %dma_wait3A_110 = arith.constant 0 : i32
    %dma_wait3A_111 = tpu.memref_slice %arg13[%dma_wait3A_109, %dma_wait3A_110] : memref<264x128xf32, #tpu.memory_space<vmem_shared>> -> memref<264x128xf32, #tpu.memory_space<vmem_shared>>
    tpu.wait_indirect_dma semaphore(%arg14 : memref<!tpu.dma_semaphore, #tpu.memory_space<semaphore_mem>>) src(%dma_wait3A_105 : memref<64x128xf32, #tpu.memory_space<vmem>>) dst(%dma_wait3A_111 : memref<264x128xf32, #tpu.memory_space<vmem_shared>>)
    %dma_wait3A_112 = arith.constant 1 : i32
    %dma_wait3A_113 = arith.constant 64 : i32
    %dma_wait3A_114 = arith.constant 0 : i32
    %dma_wait3A_115 = tpu.memref_slice %arg7[%dma_wait3A_113, %dma_wait3A_114] : memref<320x128xf32, #tpu.memory_space<vmem>> -> memref<64x128xf32, #tpu.memory_space<vmem>>
    %dma_wait3A_116 = arith.constant 0 : i32
    %dma_wait3A_117 = tpu.memref_slice %arg8[%dma_wait3A_112, %dma_wait3A_116] : memref<5x64xi32, #tpu.memory_space<vmem>> -> memref<1x64xi32, #tpu.memory_space<vmem>>
    %dma_wait3A_118 = tpu.memref_squeeze %dma_wait3A_117 : memref<1x64xi32, #tpu.memory_space<vmem>> -> memref<64xi32, #tpu.memory_space<vmem>>
    %dma_wait3A_119 = arith.constant 0 : i32
    %dma_wait3A_120 = arith.constant 0 : i32
    %dma_wait3A_121 = tpu.memref_slice %arg13[%dma_wait3A_119, %dma_wait3A_120] : memref<264x128xf32, #tpu.memory_space<vmem_shared>> -> memref<264x128xf32, #tpu.memory_space<vmem_shared>>
    tpu.wait_indirect_dma semaphore(%arg14 : memref<!tpu.dma_semaphore, #tpu.memory_space<semaphore_mem>>) src(%dma_wait3A_115 : memref<64x128xf32, #tpu.memory_space<vmem>>) dst(%dma_wait3A_121 : memref<264x128xf32, #tpu.memory_space<vmem_shared>>)
    %dma_wait3A_122 = arith.constant 2 : i32
    %dma_wait3A_123 = arith.constant 128 : i32
    %dma_wait3A_124 = arith.constant 0 : i32
    %dma_wait3A_125 = tpu.memref_slice %arg7[%dma_wait3A_123, %dma_wait3A_124] : memref<320x128xf32, #tpu.memory_space<vmem>> -> memref<64x128xf32, #tpu.memory_space<vmem>>
    %dma_wait3A_126 = arith.constant 0 : i32
    %dma_wait3A_127 = tpu.memref_slice %arg8[%dma_wait3A_122, %dma_wait3A_126] : memref<5x64xi32, #tpu.memory_space<vmem>> -> memref<1x64xi32, #tpu.memory_space<vmem>>
    %dma_wait3A_128 = tpu.memref_squeeze %dma_wait3A_127 : memref<1x64xi32, #tpu.memory_space<vmem>> -> memref<64xi32, #tpu.memory_space<vmem>>
    %dma_wait3A_129 = arith.constant 0 : i32
    %dma_wait3A_130 = arith.constant 0 : i32
    %dma_wait3A_131 = tpu.memref_slice %arg13[%dma_wait3A_129, %dma_wait3A_130] : memref<264x128xf32, #tpu.memory_space<vmem_shared>> -> memref<264x128xf32, #tpu.memory_space<vmem_shared>>
    tpu.wait_indirect_dma semaphore(%arg14 : memref<!tpu.dma_semaphore, #tpu.memory_space<semaphore_mem>>) src(%dma_wait3A_125 : memref<64x128xf32, #tpu.memory_space<vmem>>) dst(%dma_wait3A_131 : memref<264x128xf32, #tpu.memory_space<vmem_shared>>)
    %dma_wait3A_132 = arith.constant 3 : i32
    %dma_wait3A_133 = arith.constant 192 : i32
    %dma_wait3A_134 = arith.constant 0 : i32
    %dma_wait3A_135 = tpu.memref_slice %arg7[%dma_wait3A_133, %dma_wait3A_134] : memref<320x128xf32, #tpu.memory_space<vmem>> -> memref<64x128xf32, #tpu.memory_space<vmem>>
    %dma_wait3A_136 = arith.constant 0 : i32
    %dma_wait3A_137 = tpu.memref_slice %arg8[%dma_wait3A_132, %dma_wait3A_136] : memref<5x64xi32, #tpu.memory_space<vmem>> -> memref<1x64xi32, #tpu.memory_space<vmem>>
    %dma_wait3A_138 = tpu.memref_squeeze %dma_wait3A_137 : memref<1x64xi32, #tpu.memory_space<vmem>> -> memref<64xi32, #tpu.memory_space<vmem>>
    %dma_wait3A_139 = arith.constant 0 : i32
    %dma_wait3A_140 = arith.constant 0 : i32
    %dma_wait3A_141 = tpu.memref_slice %arg13[%dma_wait3A_139, %dma_wait3A_140] : memref<264x128xf32, #tpu.memory_space<vmem_shared>> -> memref<264x128xf32, #tpu.memory_space<vmem_shared>>
    tpu.wait_indirect_dma semaphore(%arg14 : memref<!tpu.dma_semaphore, #tpu.memory_space<semaphore_mem>>) src(%dma_wait3A_135 : memref<64x128xf32, #tpu.memory_space<vmem>>) dst(%dma_wait3A_141 : memref<264x128xf32, #tpu.memory_space<vmem_shared>>)
    %dma_wait3A_142 = arith.constant 4 : i32
    %dma_wait3A_143 = arith.constant 256 : i32
    %dma_wait3A_144 = arith.constant 0 : i32
    %dma_wait3A_145 = tpu.memref_slice %arg7[%dma_wait3A_143, %dma_wait3A_144] : memref<320x128xf32, #tpu.memory_space<vmem>> -> memref<64x128xf32, #tpu.memory_space<vmem>>
    %dma_wait3A_146 = arith.constant 0 : i32
    %dma_wait3A_147 = tpu.memref_slice %arg8[%dma_wait3A_142, %dma_wait3A_146] : memref<5x64xi32, #tpu.memory_space<vmem>> -> memref<1x64xi32, #tpu.memory_space<vmem>>
    %dma_wait3A_148 = tpu.memref_squeeze %dma_wait3A_147 : memref<1x64xi32, #tpu.memory_space<vmem>> -> memref<64xi32, #tpu.memory_space<vmem>>
    %dma_wait3A_149 = arith.constant 0 : i32
    %dma_wait3A_150 = arith.constant 0 : i32
    %dma_wait3A_151 = tpu.memref_slice %arg13[%dma_wait3A_149, %dma_wait3A_150] : memref<264x128xf32, #tpu.memory_space<vmem_shared>> -> memref<264x128xf32, #tpu.memory_space<vmem_shared>>
    tpu.wait_indirect_dma semaphore(%arg14 : memref<!tpu.dma_semaphore, #tpu.memory_space<semaphore_mem>>) src(%dma_wait3A_145 : memref<64x128xf32, #tpu.memory_space<vmem>>) dst(%dma_wait3A_151 : memref<264x128xf32, #tpu.memory_space<vmem_shared>>)
    %barrier3A_152 = arith.constant 0 : index
    tpu.barrier barrier_id(%barrier3A_152)
    %eq3A_153 = arith.constant 0 : i32
    %eq3A_154 = arith.cmpi eq, %arg1, %eq3A_153 : i32
    %convert_element_type3A_155 = arith.extui %eq3A_154 : i1 to i32
    %cond3A_156 = arith.constant 0 : i32
    %cond3A_157 = arith.cmpi ne, %convert_element_type3A_155, %cond3A_156 : i32
    scf.if %cond3A_157 {
      "tpu.region"() ({
        %run_scoped3A = tpu.sem_alloc : memref<!tpu.dma_semaphore, #tpu.memory_space<semaphore_mem>>
        %dma_start3A_158 = arith.constant 0 : i32
        %dma_start3A_159 = arith.constant 0 : i32
        %dma_start3A_160 = tpu.memref_slice %arg4[%arg0, %dma_start3A_158, %dma_start3A_159] : memref<2x264x128xf32, #tpu.memory_space<hbm>> -> memref<1x264x128xf32, #tpu.memory_space<hbm>>
        %dma_start3A_161 = tpu.memref_squeeze %dma_start3A_160 : memref<1x264x128xf32, #tpu.memory_space<hbm>> -> memref<264x128xf32, #tpu.memory_space<hbm>>
        tpu.enqueue_dma source(%arg13 : memref<264x128xf32, #tpu.memory_space<vmem_shared>>) target(%dma_start3A_161 : memref<264x128xf32, #tpu.memory_space<hbm>>) target_semaphore(%run_scoped3A : memref<!tpu.dma_semaphore, #tpu.memory_space<semaphore_mem>>)
        %dma_wait3A_162 = arith.constant 0 : i32
        %dma_wait3A_163 = arith.constant 0 : i32
        %dma_wait3A_164 = tpu.memref_slice %arg4[%arg0, %dma_wait3A_162, %dma_wait3A_163] : memref<2x264x128xf32, #tpu.memory_space<hbm>> -> memref<1x264x128xf32, #tpu.memory_space<hbm>>
        %dma_wait3A_165 = tpu.memref_squeeze %dma_wait3A_164 : memref<1x264x128xf32, #tpu.memory_space<hbm>> -> memref<264x128xf32, #tpu.memory_space<hbm>>
        tpu.wait_dma2 semaphore(%run_scoped3A : memref<!tpu.dma_semaphore, #tpu.memory_space<semaphore_mem>>) src(%arg13 : memref<264x128xf32, #tpu.memory_space<vmem_shared>>) dst(%dma_wait3A_165 : memref<264x128xf32, #tpu.memory_space<hbm>>)
        tpu.yield
      }) : () -> ()
    } else {
    }
    return
  }
}

module attributes {stable_mosaic.version = 14 : i64} {
  func.func @_tc_mlp_body(%arg0: memref<2x264x128xf32, #tpu.memory_space<vmem>>, %arg1: memref<32x384xi32, #tpu.memory_space<vmem>>, %arg2: memref<32x384xi32, #tpu.memory_space<vmem>>, %arg3: memref<6x256xf32, #tpu.memory_space<vmem>>, %arg4: memref<134x512xf32, #tpu.memory_space<vmem>>, %arg5: memref<1x512xf32, #tpu.memory_space<vmem>>, %arg6: memref<512x512xf32, #tpu.memory_space<vmem>>, %arg7: memref<1x512xf32, #tpu.memory_space<vmem>>, %arg8: memref<512x128xf32, #tpu.memory_space<vmem>>, %arg9: memref<1x128xf32, #tpu.memory_space<vmem>>, %arg10: memref<256x128xf32, #tpu.memory_space<vmem>>) attributes {dimension_semantics = [], scalar_prefetch = 0 : i64, scratch_operands = 0 : i64, tpu.core_type = #tpu.core_type<tc>} {
    %get3A = arith.constant 0 : index
    %get3A_0 = arith.constant 0 : index
    %get3A_1 = arith.constant 0 : index
    %get3A_2 = vector.load %arg0[%get3A, %get3A_0, %get3A_1] : memref<2x264x128xf32, #tpu.memory_space<vmem>>, vector<1x256x128xf32>
    %get3A_3 = vector.shape_cast %get3A_2 : vector<1x256x128xf32> to vector<256x128xf32>
    %get3A_4 = arith.constant 1 : index
    %get3A_5 = arith.constant 0 : index
    %get3A_6 = arith.constant 0 : index
    %get3A_7 = vector.load %arg0[%get3A_4, %get3A_5, %get3A_6] : memref<2x264x128xf32, #tpu.memory_space<vmem>>, vector<1x256x128xf32>
    %get3A_8 = vector.shape_cast %get3A_7 : vector<1x256x128xf32> to vector<256x128xf32>
    %add3A = arith.addf %get3A_3, %get3A_8 : vector<256x128xf32>
    %get3A_9 = arith.constant 0 : index
    %get3A_10 = arith.constant 0 : index
    %get3A_11 = vector.load %arg1[%get3A_9, %get3A_10] : memref<32x384xi32, #tpu.memory_space<vmem>>, vector<32x384xi32>
    %reduce_sum3A = arith.constant dense<0> : vector<384xi32>
    %reduce_sum3A_12 = vector.multi_reduction <add>, %get3A_11, %reduce_sum3A [0] : vector<32x384xi32> to vector<384xi32>
    %get3A_13 = arith.constant 0 : index
    %get3A_14 = arith.constant 0 : index
    %get3A_15 = vector.load %arg2[%get3A_13, %get3A_14] : memref<32x384xi32, #tpu.memory_space<vmem>>, vector<32x384xi32>
    %reduce_sum3A_16 = arith.constant dense<0> : vector<384xi32>
    %reduce_sum3A_17 = vector.multi_reduction <add>, %get3A_15, %reduce_sum3A_16 [0] : vector<32x384xi32> to vector<384xi32>
    %sub3A = arith.subi %reduce_sum3A_17, %reduce_sum3A_12 : vector<384xi32>
    %add3A_18 = arith.constant 1 : i32
    %add3A_19 = vector.broadcast %add3A_18 : i32 to vector<384xi32>
    %add3A_20 = arith.addi %sub3A, %add3A_19 : vector<384xi32>
    %convert_element_type3A = arith.sitofp %add3A_20 : vector<384xi32> to vector<384xf32>
    %slice3A = vector.extract_strided_slice %convert_element_type3A {offsets = [0], sizes = [256], strides = [1]} : vector<384xf32> to vector<256xf32>
    %max3A = arith.constant 1.000000e+00 : f32
    %max3A_21 = vector.broadcast %max3A : f32 to vector<256xf32>
    %max3A_22 = arith.maximumf %slice3A, %max3A_21 : vector<256xf32>
    %div3A = arith.constant 1.000000e+00 : f32
    %div3A_23 = vector.broadcast %div3A : f32 to vector<256xf32>
    %div3A_24 = arith.divf %div3A_23, %max3A_22 : vector<256xf32>
    %iota3A = tpu.iota {dimensions = array<i32: 0>} : vector<256x256xi32>
    %iota3A_25 = tpu.iota {dimensions = array<i32: 1>} : vector<256x256xi32>
    %eq3A = arith.cmpi eq, %iota3A, %iota3A_25 : vector<256x256xi32>
    %convert_element_type3A_26 = arith.extui %eq3A : vector<256x256xi1> to vector<256x256xi32>
    %convert_element_type3A_27 = arith.sitofp %convert_element_type3A_26 : vector<256x256xi32> to vector<256x256xf32>
    %broadcast_in_dim3A = vector.shape_cast %div3A_24 : vector<256xf32> to vector<1x256xf32>
    %mul3A = vector.broadcast %broadcast_in_dim3A : vector<1x256xf32> to vector<256x256xf32>
    %mul3A_28 = arith.mulf %convert_element_type3A_27, %mul3A : vector<256x256xf32>
    %dot_general3A = arith.constant dense<0.000000e+00> : vector<256x128xf32>
    %dot_general3A_29 = tpu.matmul %mul3A_28, %add3A, %dot_general3A {dimension_numbers = #tpu.dot_dimension_numbers<[1], [0], [0], [1], [0, 0, 1, 1], [], []>, precision = #tpu.contract_precision<fp32>, transpose_lhs_hint = false} : vector<256x256xf32>, vector<256x128xf32>, vector<256x128xf32> -> vector<256x128xf32>
    %get3A_30 = arith.constant 0 : index
    %get3A_31 = arith.constant 0 : index
    %get3A_32 = vector.load %arg3[%get3A_30, %get3A_31] : memref<6x256xf32, #tpu.memory_space<vmem>>, vector<6x256xf32>
    %get3A_33 = arith.constant 0 : index
    %get3A_34 = arith.constant 0 : index
    %get3A_35 = vector.load %arg4[%get3A_33, %get3A_34] : memref<134x512xf32, #tpu.memory_space<vmem>>, vector<6x512xf32>
    %dot_general3A_36 = arith.constant dense<0.000000e+00> : vector<256x512xf32>
    %dot_general3A_37 = tpu.matmul %get3A_32, %get3A_35, %dot_general3A_36 {dimension_numbers = #tpu.dot_dimension_numbers<[0], [0], [1], [1], [0, 1, 1, 1], [], []>, transpose_lhs_hint = false} : vector<6x256xf32>, vector<6x512xf32>, vector<256x512xf32> -> vector<256x512xf32>
    %get3A_38 = arith.constant 6 : index
    %get3A_39 = arith.constant 0 : index
    %get3A_40 = vector.load %arg4[%get3A_38, %get3A_39] : memref<134x512xf32, #tpu.memory_space<vmem>>, vector<128x512xf32>
    %dot_general3A_41 = arith.constant dense<0.000000e+00> : vector<256x512xf32>
    %dot_general3A_42 = tpu.matmul %dot_general3A_29, %get3A_40, %dot_general3A_41 {dimension_numbers = #tpu.dot_dimension_numbers<[1], [0], [0], [1], [0, 0, 1, 1], [], []>, transpose_lhs_hint = false} : vector<256x128xf32>, vector<128x512xf32>, vector<256x512xf32> -> vector<256x512xf32>
    %add3A_43 = arith.addf %dot_general3A_37, %dot_general3A_42 : vector<256x512xf32>
    %get3A_44 = arith.constant 0 : index
    %get3A_45 = arith.constant 0 : index
    %get3A_46 = vector.load %arg5[%get3A_44, %get3A_45] : memref<1x512xf32, #tpu.memory_space<vmem>>, vector<1x512xf32>
    %add3A_47 = vector.broadcast %get3A_46 : vector<1x512xf32> to vector<256x512xf32>
    %add3A_48 = arith.addf %add3A_43, %add3A_47 : vector<256x512xf32>
    %max3A_49 = arith.constant 0.000000e+00 : f32
    %max3A_50 = vector.broadcast %max3A_49 : f32 to vector<256x512xf32>
    %max3A_51 = arith.maximumf %add3A_48, %max3A_50 : vector<256x512xf32>
    %get3A_52 = arith.constant 0 : index
    %get3A_53 = arith.constant 0 : index
    %get3A_54 = vector.load %arg6[%get3A_52, %get3A_53] : memref<512x512xf32, #tpu.memory_space<vmem>>, vector<512x512xf32>
    %dot_general3A_55 = arith.constant dense<0.000000e+00> : vector<256x512xf32>
    %dot_general3A_56 = tpu.matmul %max3A_51, %get3A_54, %dot_general3A_55 {dimension_numbers = #tpu.dot_dimension_numbers<[1], [0], [0], [1], [0, 0, 1, 1], [], []>, transpose_lhs_hint = false} : vector<256x512xf32>, vector<512x512xf32>, vector<256x512xf32> -> vector<256x512xf32>
    %get3A_57 = arith.constant 0 : index
    %get3A_58 = arith.constant 0 : index
    %get3A_59 = vector.load %arg7[%get3A_57, %get3A_58] : memref<1x512xf32, #tpu.memory_space<vmem>>, vector<1x512xf32>
    %add3A_60 = vector.broadcast %get3A_59 : vector<1x512xf32> to vector<256x512xf32>
    %add3A_61 = arith.addf %dot_general3A_56, %add3A_60 : vector<256x512xf32>
    %max3A_62 = arith.constant 0.000000e+00 : f32
    %max3A_63 = vector.broadcast %max3A_62 : f32 to vector<256x512xf32>
    %max3A_64 = arith.maximumf %add3A_61, %max3A_63 : vector<256x512xf32>
    %get3A_65 = arith.constant 0 : index
    %get3A_66 = arith.constant 0 : index
    %get3A_67 = vector.load %arg8[%get3A_65, %get3A_66] : memref<512x128xf32, #tpu.memory_space<vmem>>, vector<512x128xf32>
    %dot_general3A_68 = arith.constant dense<0.000000e+00> : vector<256x128xf32>
    %dot_general3A_69 = tpu.matmul %max3A_64, %get3A_67, %dot_general3A_68 {dimension_numbers = #tpu.dot_dimension_numbers<[1], [0], [0], [1], [0, 0, 1, 1], [], []>, transpose_lhs_hint = false} : vector<256x512xf32>, vector<512x128xf32>, vector<256x128xf32> -> vector<256x128xf32>
    %get3A_70 = arith.constant 0 : index
    %get3A_71 = arith.constant 0 : index
    %get3A_72 = vector.load %arg9[%get3A_70, %get3A_71] : memref<1x128xf32, #tpu.memory_space<vmem>>, vector<1x128xf32>
    %add3A_73 = vector.broadcast %get3A_72 : vector<1x128xf32> to vector<256x128xf32>
    %add3A_74 = arith.addf %dot_general3A_69, %add3A_73 : vector<256x128xf32>
    %swap3A = arith.constant 0 : index
    %swap3A_75 = arith.constant 0 : index
    %swap3A_76 = vector.load %arg10[%swap3A, %swap3A_75] : memref<256x128xf32, #tpu.memory_space<vmem>>, vector<256x128xf32>
    tpu.vector_store %arg10[%swap3A, %swap3A_75], %add3A_74 {strides = array<i32>} : memref<256x128xf32, #tpu.memory_space<vmem>>, vector<256x128xf32>,
    return
  }
}

</mosaic_0001>

<sc_bundles>
// kernel: kernel.4.cloned.1.call-start
scs
__scs_entry_jumppad:
0x0: {  	(pc) =	sbr.rel $0x88, $3  }
0x1: {  	(tag) =	ssettag $0x0;
	lr =	simm.s32 $0x1  }
0x2: {  	[smem:$0x3F98] =	sst lr;
	_ =	strace $0xD0000000  }
0x3: {  	_ = 	snop  }
0x4: {  	_ = 	snop  }
0x5: {  	_ = 	snop  }
0x6: {  	_ = 	snop  }
0x7: {  	_ = 	snop  }
__scs_overlays_trampoline_lowered:
0x8: {  	[smem:$0x3FA7] =	sst s0  }
0x9: {  	[smem:$0x3FA8] =	sst s1  }
0xa: {  	[smem:$0x3FA9] =	sst s2  }
0xb: {  	[smem:$0x3FAA] =	sst s3  }
0xc: {  	[smem:$0x3FAB] =	sst s4  }
0xd: {  	[smem:$0x3FAC] =	sst s5  }
0xe: {  	[smem:$0x3FAD] =	sst s6  }
0xf: {  	[smem:$0x3FAE] =	sst s7  }
0x10: {  	[smem:$0x3FAF] =	sst s8  }
0x11: {  	[smem:$0x3FB0] =	sst s9;
	s0 =	simm.s32 @!p0 $0x0  }
0x12: {  	s1 =	sld [smem:$0x3F96];
	s0 =	simm.s32 @p0 $0x1  }
0x13: {  	[smem:$0x3FB1] =	sst s0;
	s0 =	simm.s32 @!p1 $0x0  }
0x14: {  	s2 =	sld [smem:$0x3F95];
	s0 =	simm.s32 @p1 $0x1  }
0x15: {  	[smem:$0x3FB2] =	sst s0;
	s0 =	simm.s32 @!p2 $0x0  }
0x16: {  	s3 =	sld [smem:$0x3FDB];
	s0 =	simm.s32 @p2 $0x1  }
0x17: {  	s4 =	simm.s32 $0x1BF5;
	[smem:$0x3FB4] =	sst s0  }
0x18: {  	s0 =	sld [smem:$0x3F97];
	_ =	swait.ge [sflag:s4], $0x0  }
0x19: {  	s7 =	sld [smem:$0x3F98]  }
0x1a: {  	s8 =	sadd.s32 $0xFFFFE003, lr  }
0x1b: {  	s9 =	sadd.s32 $0xFFFFFEF7, lr;
	s5 =	simm.s32 $0xFFFFFFFF;
	p2 =	slt.u32 s8, $0xFFFFF086  }
0x1c: {  	p1 =	slt.u32 s9, $0xF7A;
	s5 =	simm.s32 @!p2 $0x0  }
0x1d: {  	s5 =	simm.s32 @p1 $0x1;
	p0 =	seq.s32 s7, s2  }
0x1e: {  	s7 =	smul.u32 @!p0 $0xF7A, s2;
	p2 =	seq.s32 @!p0 s5, $0x0  }
0x1f: {  	s9 =	smul.u32 $0xF7A, s1;
	s8 =	simm.s32 @!p0 $0x1BF5;
	p2 =	por !p2, p0  }
0x20: {  	[sflag:s8] =	ssyncset.s32 @!p0 $0xFFFFF086;
	s6 =	sadd.s32 @!p0 s3, s7;
	s7 =	simm.s32 @!p0 $0x108  }
0x21: {  	s3 =	sadd.s32 s3, s9;
	s6 =	sadd.s32 @!p0 $0x88, s6;
	s7 =	simm.s32 @p2 $0x1082  }
0x22: {  	[simem:s7], [sflag:s8] =	dma.local @!p0 [hbm:s6], $0xF7A  }
0x23: {  	s9 =	sor.u32 $0xD0000000, s2;
	s6 =	simm.s32 $0x108;
	_ =	swait.ge @!p0 [sflag:s8], $0x0  }
0x24: {  	s3 =	sadd.s32 $0x88, s3;
	s6 =	simm.s32 @!p1 $0x1082;
	[sflag:s4] =	ssyncset.s32 $0xFFFFF086  }
0x25: {  	[simem:s6], [sflag:s4] =	dma.local [hbm:s3], $0xF7A  }
0x26: {  	[smem:$0x3F98] =	sst s1;
	(tag) =	ssettag s2;
	_ =	strace s9  }
0x27: {  	s1 =	sld [smem:$0x3FA8]  }
0x28: {  	s2 =	sld [smem:$0x3FA9]  }
0x29: {  	s4 =	sld [smem:$0x3FAB]  }
0x2a: {  	p0 =	seq.s32 s5, $0x0;
	s5 =	sld [smem:$0x3FAC]  }
0x2b: {  	s6 =	sld [smem:$0x3FAD]  }
0x2c: {  	s7 =	sld [smem:$0x3FAE]  }
0x2d: {  	s3 =	simm.s32 $0x108;
	s8 =	sld [smem:$0x3FAF]  }
0x2e: {  	s3 =	simm.s32 @!p0 $0x1082;
	s9 =	sld [smem:$0x3FB0]  }
0x2f: {  	lr =	sadd.s32 s0, s3;
	s0 =	sld [smem:$0x3FA7]  }
0x30: {  	s3 =	sld [smem:$0x3FAA]  }
0x31: {  	[smem:$0x3FB3] =	sst s10  }
0x32: {  	s10 =	sld [smem:$0x3FB1];
	_ =	sdelay $0x3  }
0x33: {  	p0 =	seq.s32 s10, $0x1;
	s10 =	sld [smem:$0x3FB3];
	_ =	sdelay $0x3  }
0x34: {  	[smem:$0x3FB3] =	sst s10  }
0x35: {  	s10 =	sld [smem:$0x3FB2];
	_ =	sdelay $0x3  }
0x36: {  	p1 =	seq.s32 s10, $0x1;
	s10 =	sld [smem:$0x3FB3];
	_ =	sdelay $0x3  }
0x37: {  	[smem:$0x3FB3] =	sst s10  }
0x38: {  	s10 =	sld [smem:$0x3FB4]  }
0x39: {  	_ = 	snop;
	(pc) =	sbr.ind lr, $3  }
0x3a: {  	_ = 	snop  }
0x3b: {  	_ = 	snop  }
0x3c: {  	p2 =	seq.s32 s10, $0x1;
	s10 =	sld [smem:$0x3FB3]  }
0x3d: {  	_ =	shalt  }
0x3e: {  	_ =	shalt  }
0x3f: {  	_ =	shalt  }
0x40: {  	_ =	shalt  }
0x41: {  	_ =	shalt  }
0x42: {  	_ =	shalt  }
0x43: {  	_ =	shalt  }
0x44: {  	_ =	shalt  }
0x45: {  	_ =	shalt  }
0x46: {  	_ =	shalt  }
0x47: {  	_ =	shalt  }
0x48: {  	_ =	shalt  }
0x49: {  	_ =	shalt  }
0x4a: {  	_ =	shalt  }
0x4b: {  	_ =	shalt  }
0x4c: {  	_ =	shalt  }
0x4d: {  	_ =	shalt  }
0x4e: {  	_ =	shalt  }
0x4f: {  	_ =	shalt  }
0x50: {  	_ =	shalt  }
0x51: {  	_ =	shalt  }
0x52: {  	_ =	shalt  }
0x53: {  	_ =	shalt  }
0x54: {  	_ =	shalt  }
0x55: {  	_ =	shalt  }
0x56: {  	_ =	shalt  }
0x57: {  	_ =	shalt  }
0x58: {  	_ =	shalt  }
0x59: {  	_ =	shalt  }
0x5a: {  	_ =	shalt  }
0x5b: {  	_ =	shalt  }
0x5c: {  	_ =	shalt  }
0x5d: {  	_ =	shalt  }
0x5e: {  	_ =	shalt  }
0x5f: {  	_ =	shalt  }
0x60: {  	_ =	shalt  }
0x61: {  	_ =	shalt  }
0x62: {  	_ =	shalt  }
0x63: {  	_ =	shalt  }
0x64: {  	_ =	shalt  }
0x65: {  	_ =	shalt  }
0x66: {  	_ =	shalt  }
0x67: {  	_ =	shalt  }
0x68: {  	_ =	shalt  }
0x69: {  	_ =	shalt  }
0x6a: {  	_ =	shalt  }
0x6b: {  	_ =	shalt  }
0x6c: {  	_ =	shalt  }
0x6d: {  	_ =	shalt  }
0x6e: {  	_ =	shalt  }
0x6f: {  	_ =	shalt  }
0x70: {  	_ =	shalt  }
0x71: {  	_ =	shalt  }
0x72: {  	_ =	shalt  }
0x73: {  	_ =	shalt  }
0x74: {  	_ =	shalt  }
0x75: {  	_ =	shalt  }
0x76: {  	_ =	shalt  }
0x77: {  	_ =	shalt  }
0x78: {  	_ =	shalt  }
0x79: {  	_ =	shalt  }
0x7a: {  	_ =	shalt  }
0x7b: {  	_ =	shalt  }
0x7c: {  	_ =	shalt  }
0x7d: {  	_ =	shalt  }
0x7e: {  	_ =	shalt  }
0x7f: {  	_ =	shalt  }
0x80: {  	_ =	shalt  }
0x81: {  	_ =	shalt  }
0x82: {  	_ =	shalt  }
0x83: {  	_ =	shalt  }
0x84: {  	_ =	shalt  }
0x85: {  	_ =	shalt  }
0x86: {  	_ =	shalt  }
0x87: {  	_ =	shalt  }
.Lfunc_end0:
.L_simem_size_0:
called_computation_lowered:
.L_overlay_start_0:
0x88: {  	s2 =	sld [smem:$0x3FD9]  }
0x89: {  	s3 =	sld [smem:$0x3FFE];
	_ =	sdelay $0x1  }
0x8a: {  	s1 =	srdreg.scid  }
0x8b: {  	s0 =	sand.u32 $0x1, s1  }
0x8c: {  	s17 =	sshll.u32 s0, $0xA;
	s2 =	sadd.s32 s3, s2  }
0x8d: {  	s2 =	sadd.s32 s2, s17  }
0x8e: {  	[smem:$0x3FBF] =	sst s2  }
0x8f: {  	_ = 	snop  }
0x90: {  	s2 =	sld [smem:$0x3FC9]  }
0x91: {  	s18 =	sld [smem:$0x3FC7]  }
0x92: {  	s4 =	sld [smem:$0x3FD0];
	(tm) =	ssettm $0x1  }
0x93: {  	s5 =	sld [smem:$0x3FFB];
	_ =	sdelay $0x3  }
0x94: {  	_ =	strace s5  }
0x95: {  	s5 =	sld [smem:$0x3FFC];
	_ =	sdelay $0x3  }
0x96: {  	_ =	strace s5  }
0x97: {  	s5 =	sld [smem:$0x3FFD];
	_ =	sdelay $0x3  }
0x98: {  	_ =	strace s5  }
0x99: {  	_ =	strace $0x8FFFFFFF  }
0x9a: {  	s19 =	sld [smem:$0x3FDB];
	_ =	sdelay $0x1  }
0x9b: {  	s6 =	simm.s32 $_scs_section_size  }
0x9c: {  	s7 =	simm.s32 $_size__tile_overlayer_lowered;
	s8 =	simm.s32 $_tile_overlayer_lowered  }
0x9d: {  	s22 =	simm.s32 $0x1BFF;
	s21 =	sshll.u32 s8, $0x1;
	s5 =	sadd.s32 s6, s19  }
0x9e: {  	s9 =	simm.s32 $0x0;
	s20 =	sshll.u32 s7, $0x1;
	s7 =	sadd.s32 s21, s5  }
0x9f: {  	[timem:s9], [sflag:s22] =	dma.local [hbm:s7], s20  }
0xa0: {  	_ =	swait.ge [sflag:s22], s20  }
0xa1: {  	s6 =	ssub.s32 $0x0, s20;
	[sflag:s22] =	ssyncset.done $0x0  }
0xa2: {  	[sflag:s22] =	ssyncadd.s32 s6;
	_ =	sdelay $0x1  }
0xa3: {  	s23 =	simm.s32 $0x1B8B  }
0xa4: {  	_ =	swait.ge [sflag:s23], $0x1  }
0xa5: {  	[sflag:s23] =	ssyncset.done $0x0  }
0xa6: {  	s25 =	simm.s32 $0x1B8E;
	s24 =	sld [smem:$0x3FFE];
	[sflag:s23] =	ssyncadd.s32 $0xFFFFFFFF  }
0xa7: {  	s26 =	simm.s32 $execute0_lowered;
	[smem:$0x3FD2] =	sst s25  }
0xa8: {  	s7 =	sshll.u32 s26, $0x1;
	_ =	strace $0x80000046;
	[dreg:$0x1] =	wrdreg $0xFFFFFFFF  }
0xa9: {  	s28 =	simm.s32 $_size_execute0_lowered;
	s5 =	sadd.s32 s5, s7;
	[dreg:$0x0] =	wrdreg $0x0  }
0xaa: {  	s7 =	sshll.u32 s28, $0x1;
	[dreg:$0x2] =	wrdreg s5  }
0xab: {  	[dreg:$0x3] =	wrdreg s7  }
0xac: {  	[dreg:$0x4] =	wrdreg $0xC0  }
0xad: {  	_ =	task [dreg:s9], $0x5FFFF  }
0xae: {  	[dreg:$0x1] =	wrdreg $0xFFFFFFFF  }
0xaf: {  	[dreg:$0x0] =	wrdreg $0x60  }
0xb0: {  	[dreg:$0x2] =	wrdreg s2  }
0xb1: {  	[dreg:$0x3] =	wrdreg s18  }
0xb2: {  	[dreg:$0x4] =	wrdreg s24  }
0xb3: {  	[dreg:$0x5] =	wrdreg s4  }
0xb4: {  	[dreg:$0x6] =	wrdreg $0xB0800  }
0xb5: {  	[dreg:$0x7] =	wrdreg $0x9  }
0xb6: {  	_ =	task.clear_ibuf [dreg:s9], $0x8FFFF;
	_ =	strace $0x90000046  }
0xb7: {  	s29 =	simm.s32 $0x9;
	_ =	strace $0x80000048  }
0xb8: {  	_ =	swait.ge [sflag:s29], $0x1  }
0xb9: {  	[sflag:s29] =	ssyncadd.s32 $0xFFFFFFFF  }
0xba: {  	_ =	strace $0x90000048  }
0xbb: {  	_ =	sfence  }
0xbc: {  	s30 =	sld [smem:$0x0];
	_ =	sdelay $0x2  }
0xbd: {  	s31 =	sshll.u32 s1, $0xD;
	s1 =	sshrl.u32 s1, $0x2  }
0xbe: {  	s3 =	sand.u32 $0x4000, s31;
	s1 =	sadd.s32 s1, s30  }
0xbf: {  	s0 =	sor.u32 s3, s0;
	s1 =	sshll.u32 s1, $0x11  }
0xc0: {  	s0 =	sor.u32 s1, s0  }
0xc1: {  	s0 =	sadd.s32 $0x8F2B, s0  }
0xc2: {  	[sflag:s0] =	ssyncadd.remote.s32 $0x1  }
0xc3: {  	_ =	sfence.sel $0xFFFF  }
0xc4: {  	[dreg:$0x0] =	wrdreg $0xFFFFFFFF;
	(pc) =	sbr.abs _section_cstart, $3  }
0xc5: {  	[dreg:$0x1] =	wrdreg $0xFFFFFFFF  }
0xc6: {  	_ =	task.clear_ibuf [dreg:s9], $0x2FFFF;
	_ =	strace $0x9FFFFFFF  }
0xc7: {  	(tm) =	ssettm $0x7FFFFFFF  }
tec
execute0_lowered:
.L_overlay_start_1:
0x0: {  	(tag) =	ssettag $0x1  }
0x1: {  	s0 =	rddreg [dreg:$0x0]  }
0x2: {  	s12 =	rddreg [dreg:$0x1]  }
0x3: {  	s1 =	srdreg.scid;
	s3 =	rddreg [dreg:$0x2]  }
0x4: {  	s14 =	rddreg [dreg:$0x3];
	s17 =	stileid.u32;
	s22 =	simm.s32 $0x80  }
0x5: {  	s23 =	simm.s32 $0x400;
	s28 =	simm.s32 $0x0;
	s13 =	sand.u32 $0x1, s1  }
0x6: {  	s1 =	rddreg [dreg:$0x4];
	s5 =	sshll.u32 s17, $0x7;
	s26 =	sshll.u32 s17, $0xB  }
0x7: {  	s11 =	sadd.s32 $0x4D8, s12;
	s21 =	smul.u32 $0x140, s17;
	p1 =	sne.s32 s17, $0x0  }
0x8: {  	s2 =	sshll.u32 s13, $0x4;
	s6 =	smul.u32 $0x1080, s13;
	s5 =	sand.u32 $0x380, s5  }
0x9: {  	s24 =	ssub.s32 $0x2, s13;
	s31 =	smul.u32 $0x1400, s13;
	s18 =	sor.u32 s17, s2  }
0xa: {  	s2 =	simm.s32 $0x0;
	s25 =	sshrl.u32 s24, $0x1;
	s7 =	smul.u32 $0x1400, s18  }
0xb: {  	s4 =	sshrl.u32 s18, $0x3;
	[smem:$0x7FF] =	sst s2;
	s8 =	smul.u32 $0x140, s18  }
0xc: {  	s16 =	sadd.s32 s6, s3;
	s20 =	ssub.s32 s24, s25;
	s29 =	sadd.s32 s21, s31  }
0xd: {  	p0 =	seq.s32 s18, $0x1F;
	s21 =	simm.s32 $0xA580;
	s4 =	smul.u32 $0xC00, s4  }
0xe: {  	s24 =	simm.s32 $0x40;
	s18 =	simm.s32 $0xA200;
	s25 =	simm.s32 $0x8000  }
0xf: {  	_ =	strace $0x80000047;
	s30 =	sshrl.u32 s8, $0x3;
	s4 =	sor.u32 s5, s4  }
0x10: {  	s5 =	sadd.s32 s26, s1;
	s6 =	sadd.s32 s12, s30;
	s12 =	sadd.s32 $0x4E0, s12  }
0x11: {  	s26 =	simm.s32 $0x1;
	s15 =	sshrl.u32 s4, $0x3;
	s4 =	sadd.s32 $0x26C00, s0  }
0x12: {  	s8 =	sadd.s32 $0x10, s6;
	s9 =	sadd.s32 $0x18, s6;
	s10 =	sadd.s32 $0x20, s6  }
0x13: {  	s19 =	sadd.s32 s15, s3;
	s3 =	sadd.s32 s0, s7;
	s7 =	sadd.s32 $0x8, s6  }
0x14: {  	v0 =	vlaneseq.u32;
	s13 =	sadd.s32 s14, s15;
	s15 =	sadd.s32 $0x1C00, s16;
	s16 =	smax.u32 s20, $0x1  }
0x15: {  	v1 =	vimm.f32 $0.0e+00;
	v2 =	vimm.s32 $0x0;
	v3 =	vadd.s32 $0x1, v0;
	s20 =	simm.s32 $0xA700;
	s14 =	sadd.s32 $0x3E00, s19;
	s19 =	simm.s32 $0x2  }
.LBB2_1:
0x16: {  	s17 =	simm.s32 @p0 $0x0;
	s0 =	sand.u32 $0x1E00, s2  }
0x17: {  	[tilespmem:s17], [sflag:$0x1] =	stream.linear.gather @p0 [hbm4b:s4+s17], $0x2800, $0x38;
	[tilespmem:$0xB8C0] =	vst v63  }
0x18: {  	s30 =	sand.u32 $0x70, s2;
	s17 =	simm.s32 @!p0 $0x0;
	s31 =	sshrl.u32 s0, $0x2  }
0x19: {  	[tilespmem:s17], [sflag:$0x1] =	stream.linear.gather @!p0 [hbm4b:s3+s17], $0xA000, $0x38;
	[tilespmem:$0xB8C0] =	vst v63  }
0x1a: {  	s31 =	sor.u32 s30, s31;
	s30 =	simm.s32 $0x0;
	s17 =	simm.s32 $0x40  }
.LBB2_2:
0x1b: {  	p2 =	sne.s32 s17, $0x1FC0  }
0x1c: {  	[tilespmem:s31+$0xA880] =	vst v1;
	s30 =	sadd.s32 $0x10, s30;
	s31 =	smov.u32 s17;
	s17 =	sadd.s32 $0x40, s17  }
.Ltmp0:
0x1d: {  	(pc) =	sbr.rel @p2 .LBB2_2-.Ltmp0, $4  }
0x1e: {  	_ = 	snop  }
0x1f: {  	s31 =	sand.u32 $0x1E00, s31  }
0x20: {  	s0 =	sand.u32 $0x70, s30;
	s31 =	sshrl.u32 s31, $0x2  }
0x21: {  	s31 =	sor.u32 s0, s31  }
0x22: {  	[tilespmem:s31+$0xA880] =	vst v1;
	s0 =	simm.s32 $0xA880  }
0x23: {  	[spmem:s5] =	stream.linear.scatter [tilespmem:s0], [sflag:$0x2], $0x800, $0x38;
	[tilespmem:$0xB8C0] =	vst v63  }
0x24: {  	_ =	swait.ge [sflag:s19], $0x800  }
0x25: {  	[sflag:s19] =	ssyncset.done $0x0  }
0x26: {  	v4 =	vimm.s32 @p0 $0x100;
	[sflag:s19] =	ssyncadd.s32 $0xFFFFF800  }
0x27: {  	[tilespmem:$0xA000] =	vst @p0 v4  }
0x28: {  	[tilespmem:$0xA010] =	vst @p0 v4  }
0x29: {  	[tilespmem:$0xA020] =	vst @p0 v4  }
0x2a: {  	[tilespmem:$0xA030] =	vst @p0 v4  }
0x2b: {  	[tilespmem:$0xA080] =	vst @p0 v4  }
0x2c: {  	[tilespmem:$0xA090] =	vst @p0 v4  }
0x2d: {  	[tilespmem:$0xA0A0] =	vst @p0 v4  }
0x2e: {  	[tilespmem:$0xA0B0] =	vst @p0 v4  }
0x2f: {  	[tilespmem:$0xA100] =	vst @p0 v4  }
0x30: {  	[tilespmem:$0xA110] =	vst @p0 v4  }
0x31: {  	[tilespmem:$0xA120] =	vst @p0 v4  }
0x32: {  	[tilespmem:$0xA130] =	vst @p0 v4  }
0x33: {  	[tilespmem:$0xA180] =	vst @p0 v4  }
0x34: {  	[tilespmem:$0xA190] =	vst @p0 v4  }
0x35: {  	[tilespmem:$0xA1A0] =	vst @p0 v4  }
0x36: {  	[tilespmem:$0xA1B0] =	vst @p0 v4  }
0x37: {  	[tilespmem:$0xA200] =	vst @p0 v4  }
0x38: {  	[tilespmem:$0xA210] =	vst @p0 v4  }
0x39: {  	[tilespmem:$0xA220] =	vst @p0 v4  }
0x3a: {  	[tilespmem:$0xA230] =	vst @p0 v4  }
0x3b: {  	[tilespmem:$0xA400] =	vst @p0 v4  }
0x3c: {  	[tilespmem:$0xA410] =	vst @p0 v4  }
0x3d: {  	[tilespmem:$0xA420] =	vst @p0 v4  }
0x3e: {  	[tilespmem:$0xA430] =	vst @p0 v4  }
0x3f: {  	[tilespmem:$0xA440] =	vst @p0 v4  }
0x40: {  	[tilespmem:$0xA450] =	vst @p0 v4  }
0x41: {  	[tilespmem:$0xA460] =	vst @p0 v4  }
0x42: {  	[tilespmem:$0xA470] =	vst @p0 v4  }
0x43: {  	[tilespmem:$0xA480] =	vst @p0 v4  }
0x44: {  	[tilespmem:$0xA490] =	vst @p0 v4  }
0x45: {  	[tilespmem:$0xA4A0] =	vst @p0 v4  }
0x46: {  	[tilespmem:$0xA4B0] =	vst @p0 v4  }
0x47: {  	[tilespmem:$0xA4C0] =	vst @p0 v4  }
0x48: {  	[tilespmem:$0xA4D0] =	vst @p0 v4  }
0x49: {  	[tilespmem:$0xA4E0] =	vst @p0 v4  }
0x4a: {  	[tilespmem:$0xA4F0] =	vst @p0 v4  }
0x4b: {  	[tilespmem:$0xA500] =	vst @p0 v4  }
0x4c: {  	[tilespmem:$0xA510] =	vst @p0 v4  }
0x4d: {  	[tilespmem:$0xA520] =	vst @p0 v4  }
0x4e: {  	[tilespmem:$0xA530] =	vst @p0 v4  }
0x4f: {  	s17 =	simm.s32 @p0 $0xA000;
	s0 =	simm.s32 @p0 $0x0;
	[tilespmem:$0xA540] =	vst @p0 v4  }
0x50: {  	[tilespmem:s17], [sflag:$0x2] =	stream.linear.gather @p0 [hbm4b:s11+s0], $0x40, $0x38;
	[tilespmem:$0xB8C0] =	vst v63  }
0x51: {  	s17 =	simm.s32 @p0 $0x2  }
0x52: {  	_ =	swait.ge @p0 [sflag:s17], $0x40  }
0x53: {  	[sflag:s17] =	ssyncset.done @p0 $0x0  }
0x54: {  	s30 =	simm.s32 @p0 $0xA080;
	[sflag:s17] =	ssyncadd.s32 @p0 $0xFFFFFFC0  }
0x55: {  	[tilespmem:s30], [sflag:$0x2] =	stream.linear.gather @p0 [hbm4b:s12+s0], $0x10, $0x38;
	[tilespmem:$0xB8C0] =	vst v63  }
0x56: {  	_ =	swait.ge @p0 [sflag:s17], $0x10  }
0x57: {  	[sflag:s17] =	ssyncset.done @p0 $0x0  }
0x58: {  	s30 =	simm.s32 @p0 $0xA400;
	[sflag:s17] =	ssyncadd.s32 @p0 $0xFFFFFFF0  }
0x59: {  	[tilespmem:s30], [sflag:$0x2] =	stream.linear.gather @p0 [hbm4b:s11+s0], $0x50, $0x38;
	[tilespmem:$0xB8C0] =	vst v63  }
0x5a: {  	_ =	swait.ge @p0 [sflag:s17], $0x50  }
0x5b: {  	[sflag:s17] =	ssyncset.done @p0 $0x0  }
0x5c: {  	s0 =	simm.s32 @!p0 $0x0;
	[sflag:s17] =	ssyncadd.s32 @p0 $0xFFFFFFB0;
	s17 =	simm.s32 @!p0 $0xA000  }
0x5d: {  	[tilespmem:s17], [sflag:$0x2] =	stream.linear.gather @!p0 [hbm4b:s6+s0], $0x40, $0x38;
	[tilespmem:$0xB8C0] =	vst v63  }
0x5e: {  	s17 =	simm.s32 @!p0 $0x2  }
0x5f: {  	_ =	swait.ge @!p0 [sflag:s17], $0x40  }
0x60: {  	[sflag:s17] =	ssyncset.done @!p0 $0x0  }
0x61: {  	s30 =	simm.s32 @!p0 $0xA080;
	[sflag:s17] =	ssyncadd.s32 @!p0 $0xFFFFFFC0  }
0x62: {  	[tilespmem:s30], [sflag:$0x2] =	stream.linear.gather @!p0 [hbm4b:s7+s0], $0x40, $0x38;
	[tilespmem:$0xB8C0] =	vst v63  }
0x63: {  	_ =	swait.ge @!p0 [sflag:s17], $0x40  }
0x64: {  	[sflag:s17] =	ssyncset.done @!p0 $0x0  }
0x65: {  	s30 =	simm.s32 @!p0 $0xA100;
	[sflag:s17] =	ssyncadd.s32 @!p0 $0xFFFFFFC0  }
0x66: {  	[tilespmem:s30], [sflag:$0x2] =	stream.linear.gather @!p0 [hbm4b:s8+s0], $0x40, $0x38;
	[tilespmem:$0xB8C0] =	vst v63  }
0x67: {  	_ =	swait.ge @!p0 [sflag:s17], $0x40  }
0x68: {  	[sflag:s17] =	ssyncset.done @!p0 $0x0  }
0x69: {  	s30 =	simm.s32 @!p0 $0xA180;
	[sflag:s17] =	ssyncadd.s32 @!p0 $0xFFFFFFC0  }
0x6a: {  	[tilespmem:s30], [sflag:$0x2] =	stream.linear.gather @!p0 [hbm4b:s9+s0], $0x40, $0x38;
	[tilespmem:$0xB8C0] =	vst v63  }
0x6b: {  	_ =	swait.ge @!p0 [sflag:s17], $0x40  }
0x6c: {  	[sflag:s17] =	ssyncset.done @!p0 $0x0  }
0x6d: {  	s30 =	simm.s32 @!p0 $0xA200;
	[sflag:s17] =	ssyncadd.s32 @!p0 $0xFFFFFFC0  }
0x6e: {  	[tilespmem:s30], [sflag:$0x2] =	stream.linear.gather @!p0 [hbm4b:s10+s0], $0x40, $0x38;
	[tilespmem:$0xB8C0] =	vst v63  }
0x6f: {  	_ =	swait.ge @!p0 [sflag:s17], $0x40  }
0x70: {  	[sflag:s17] =	ssyncset.done @!p0 $0x0  }
0x71: {  	s30 =	simm.s32 @!p0 $0xA400;
	[sflag:s17] =	ssyncadd.s32 @!p0 $0xFFFFFFC0  }
0x72: {  	[tilespmem:s30], [sflag:$0x2] =	stream.linear.gather @!p0 [hbm4b:s6+s0], $0x150, $0x38;
	[tilespmem:$0xB8C0] =	vst v63  }
0x73: {  	_ =	swait.ge @!p0 [sflag:s17], $0x150  }
0x74: {  	[sflag:s17] =	ssyncset.done @!p0 $0x0  }
0x75: {  	[sflag:s17] =	ssyncadd.s32 @!p0 $0xFFFFFEB0  }
0x76: {  	[tilespmem:$0xA580] =	vst v2  }
0x77: {  	[tilespmem:$0xA700] =	vst v2  }
0x78: {  	[tilespmem:$0xA590] =	vst v2  }
0x79: {  	[tilespmem:$0xA710] =	vst v2  }
0x7a: {  	[tilespmem:$0xA5A0] =	vst v2  }
0x7b: {  	[tilespmem:$0xA720] =	vst v2  }
0x7c: {  	[tilespmem:$0xA5B0] =	vst v2  }
0x7d: {  	[tilespmem:$0xA730] =	vst v2  }
0x7e: {  	[tilespmem:$0xA5C0] =	vst v2  }
0x7f: {  	[tilespmem:$0xA740] =	vst v2  }
0x80: {  	[tilespmem:$0xA5D0] =	vst v2  }
0x81: {  	[tilespmem:$0xA750] =	vst v2  }
0x82: {  	[tilespmem:$0xA5E0] =	vst v2  }
0x83: {  	[tilespmem:$0xA760] =	vst v2  }
0x84: {  	[tilespmem:$0xA5F0] =	vst v2  }
0x85: {  	[tilespmem:$0xA770] =	vst v2  }
0x86: {  	[tilespmem:$0xA600] =	vst v2  }
0x87: {  	[tilespmem:$0xA780] =	vst v2  }
0x88: {  	[tilespmem:$0xA610] =	vst v2  }
0x89: {  	[tilespmem:$0xA790] =	vst v2  }
0x8a: {  	[tilespmem:$0xA620] =	vst v2  }
0x8b: {  	[tilespmem:$0xA7A0] =	vst v2  }
0x8c: {  	[tilespmem:$0xA630] =	vst v2  }
0x8d: {  	[tilespmem:$0xA7B0] =	vst v2  }
0x8e: {  	[tilespmem:$0xA640] =	vst v2  }
0x8f: {  	[tilespmem:$0xA7C0] =	vst v2  }
0x90: {  	[tilespmem:$0xA650] =	vst v2  }
0x91: {  	[tilespmem:$0xA7D0] =	vst v2  }
0x92: {  	[tilespmem:$0xA660] =	vst v2  }
0x93: {  	[tilespmem:$0xA7E0] =	vst v2  }
0x94: {  	[tilespmem:$0xA670] =	vst v2  }
0x95: {  	[tilespmem:$0xA7F0] =	vst v2  }
0x96: {  	[tilespmem:$0xA680] =	vst v2  }
0x97: {  	[tilespmem:$0xA800] =	vst v2  }
0x98: {  	[tilespmem:$0xA690] =	vst v2  }
0x99: {  	[tilespmem:$0xA810] =	vst v2  }
0x9a: {  	[tilespmem:$0xA6A0] =	vst v2  }
0x9b: {  	[tilespmem:$0xA820] =	vst v2  }
0x9c: {  	[tilespmem:$0xA6B0] =	vst v2  }
0x9d: {  	[tilespmem:$0xA830] =	vst v2  }
0x9e: {  	[tilespmem:$0xA6C0] =	vst v2  }
0x9f: {  	[tilespmem:$0xA840] =	vst v2  }
0xa0: {  	[tilespmem:$0xA6D0] =	vst v2  }
0xa1: {  	[tilespmem:$0xA850] =	vst v2  }
0xa2: {  	[tilespmem:$0xA6E0] =	vst v2  }
0xa3: {  	[tilespmem:$0xA860] =	vst v2  }
0xa4: {  	[tilespmem:$0xA6F0] =	vst v2  }
0xa5: {  	s17 =	simm.s32 $0x0;
	[tilespmem:$0xA870] =	vst v2  }
0xa6: {  	v4 =	vld [tilespmem:s17+$0xA401]  }
0xa7: {  	v5 =	vld [tilespmem:s17+$0xA400];
	_ =	sdelay $0x4  }
0xa8: {  	vm0 =	veq.s32 v5, v4  }
0xa9: {  	v5 =	vsel vm0, $0x17F, v5  }
0xaa: {  	v4 =	vsel vm0, $0x17F, v4;
	_ =	sdelay $0x2  }
0xab: {  	v6 =	vor.u32 s29, v0  }
0xac: {  	[tilespmem:v5+s20+$0x0] =	vst.idx.msk $0xffff, v6;
	v5 =	vadd.s32 s29, v3  }
0xad: {  	s31 =	simm.s32 $0x10;
	[tilespmem:v4+s21+$0x0] =	vst.idx.msk $0xffff, v5  }
0xae: {  	v4 =	vld [tilespmem:s31+$0xA401]  }
0xaf: {  	s30 =	simm.s32 $0x80;
	s17 =	smov.u32 s29;
	v5 =	vld [tilespmem:s31+$0xA400]  }
.LBB2_4:
0xb0: {  	p2 =	sne.s32 s30, $0x4C0;
	_ =	sdelay $0x3  }
0xb1: {  	vm0 =	veq.s32 v5, v4  }
0xb2: {  	v5 =	vsel vm0, $0x17F, v5;
	v4 =	vsel vm0, $0x17F, v4;
	_ =	sdelay $0x2  }
0xb3: {  	s17 =	sadd.s32 $0x10, s17  }
.Ltmp1:
0xb4: {  	v6 =	vor.u32 s17, v0;
	(pc) =	sbr.rel @p2 .LBB2_4-.Ltmp1, $4  }
0xb5: {  	[tilespmem:v5+s20+$0x0] =	vst.idx.msk $0xffff, v6;
	v5 =	vadd.s32 s17, v3  }
0xb6: {  	s0 =	sshra.s32 s30, $0x2;
	[tilespmem:v4+s21+$0x0] =	vst.idx.msk $0xffff, v5  }
0xb7: {  	v4 =	vld [tilespmem:s0+$0xA401]  }
0xb8: {  	s30 =	sadd.s32 $0x40, s30;
	v5 =	vld [tilespmem:s0+$0xA400]  }
0xb9: {  	_ =	sdelay $0x3  }
0xba: {  	vm0 =	veq.s32 v5, v4  }
0xbb: {  	v5 =	vsel vm0, $0x17F, v5  }
0xbc: {  	v4 =	vsel vm0, $0x17F, v4;
	_ =	sdelay $0x1  }
0xbd: {  	s0 =	sadd.s32 $0x10, s17  }
0xbe: {  	v6 =	vor.u32 s0, v0  }
0xbf: {  	[tilespmem:v5+s20+$0x0] =	vst.idx.msk $0xffff, v6;
	v5 =	vadd.s32 s0, v3  }
0xc0: {  	[tilespmem:v4+s21+$0x0] =	vst.idx.msk $0xffff, v5  }
0xc1: {  	[hbm4b:s13+s22] =	stream.strided.scatter [tilespmem:s21], [sflag:$0x2], $0x180, s23, s22, $0x38;
	[tilespmem:$0xB8C0] =	vst v63  }
0xc2: {  	_ =	swait.ge [sflag:s19], $0x180  }
0xc3: {  	[sflag:s19] =	ssyncset.done $0x0  }
0xc4: {  	[sflag:s19] =	ssyncadd.s32 $0xFFFFFE80  }
0xc5: {  	[hbm4b:s14+s22] =	stream.strided.scatter [tilespmem:s20], [sflag:$0x2], $0x180, s23, s22, $0x38;
	[tilespmem:$0xB8C0] =	vst v63  }
0xc6: {  	_ =	swait.ge [sflag:s19], $0x180  }
0xc7: {  	[sflag:s19] =	ssyncset.done $0x0  }
0xc8: {  	s0 =	simm.s32 @p0 $0x1;
	[sflag:s19] =	ssyncadd.s32 $0xFFFFFE80  }
0xc9: {  	_ =	swait.ge @p0 [sflag:s0], $0x2800  }
0xca: {  	[sflag:s0] =	ssyncset.done @p0 $0x0  }
0xcb: {  	[sflag:s0] =	ssyncadd.s32 @p0 $0xFFFFD800;
	s0 =	simm.s32 @!p0 $0x1  }
0xcc: {  	_ =	swait.ge @!p0 [sflag:s0], $0xA000  }
0xcd: {  	[sflag:s0] =	ssyncset.done @!p0 $0x0  }
0xce: {  	[sflag:s0] =	ssyncadd.s32 @!p0 $0xFFFF6000  }
0xcf: {  	s17 =	simm.s32 $0xA000;
	[bflag:$0x0] =	sbarrier.arrive $0xFFFF  }
0xd0: {  	[spmem:s1] =	stream.indirect.scatter.add.f32 [tilespmem:s2], [sflag:$0x1], $0x80, s17, s24, $0xb8;
	[tilespmem:$0xB8C0] =	vst v63  }
0xd1: {  	s30 =	simm.s32 $0xA080;
	s31 =	simm.s32 $0x2000  }
0xd2: {  	[spmem:s1] =	stream.indirect.scatter.add.f32 [tilespmem:s31], [sflag:$0x1], $0x80, s30, s24, $0xb8;
	[tilespmem:$0xB8C0] =	vst v63  }
0xd3: {  	s30 =	simm.s32 $0xA100;
	s31 =	simm.s32 $0x4000  }
0xd4: {  	[spmem:s1] =	stream.indirect.scatter.add.f32 [tilespmem:s31], [sflag:$0x1], $0x80, s30, s24, $0xb8;
	[tilespmem:$0xB8C0] =	vst v63  }
0xd5: {  	s30 =	simm.s32 $0xA180;
	s31 =	simm.s32 $0x6000  }
0xd6: {  	[spmem:s1] =	stream.indirect.scatter.add.f32 [tilespmem:s31], [sflag:$0x1], $0x80, s30, s24, $0xb8;
	[tilespmem:$0xB8C0] =	vst v63  }
0xd7: {  	_ = 	snop  }
0xd8: {  	[spmem:s1] =	stream.indirect.scatter.add.f32 [tilespmem:s25], [sflag:$0x1], $0x80, s18, s24, $0xb8;
	[tilespmem:$0xB8C0] =	vst v63  }
0xd9: {  	_ =	swait.ge [sflag:s26], $0x2000  }
0xda: {  	[sflag:s26] =	ssyncset.done $0x0  }
0xdb: {  	[sflag:s26] =	ssyncadd.s32 $0xFFFFE000  }
0xdc: {  	_ =	swait.ge [sflag:s26], $0x2000  }
0xdd: {  	[sflag:s26] =	ssyncset.done $0x0  }
0xde: {  	[sflag:s26] =	ssyncadd.s32 $0xFFFFE000  }
0xdf: {  	_ =	swait.ge [sflag:s26], $0x2000  }
0xe0: {  	[sflag:s26] =	ssyncset.done $0x0  }
0xe1: {  	[sflag:s26] =	ssyncadd.s32 $0xFFFFE000  }
0xe2: {  	_ =	swait.ge [sflag:s26], $0x2000  }
0xe3: {  	[sflag:s26] =	ssyncset.done $0x0  }
0xe4: {  	[sflag:s26] =	ssyncadd.s32 $0xFFFFE000  }
0xe5: {  	_ =	swait.ge [sflag:s26], $0x2000  }
0xe6: {  	s28 =	sadd.s32 $0x1, s28;
	[sflag:s26] =	ssyncset.done $0x0  }
0xe7: {  	p2 =	sne.s32 s28, s16;
	[sflag:s26] =	ssyncadd.s32 $0xFFFFE000  }
0xe8: {  	s0 =	sshrl.u32 @!p1 s1, $0x3;
	s17 =	simm.s32 @!p1 $0x1C02;
	[bflag:$0x0] =	sbarrier.arrive $0xFFFF  }
0xe9: {  	[hbm:s15], [sflag:s17] =	dma.local @!p1 [spmem:s0], $0x1080  }
.Ltmp2:
0xea: {  	_ = 	snop;
	(pc) =	sbr.rel @p2 .LBB2_1-.Ltmp2, $4  }
0xeb: {  	s0 =	simm.s32 @!p1 $0x2  }
0xec: {  	_ =	swait.ge @!p1 [sflag:s0], $0x1080  }
0xed: {  	[sflag:s0] =	ssyncset.done @!p1 $0x0  }
0xee: {  	[sflag:s0] =	ssyncadd.s32 @!p1 $0xFFFFEF80  }
0xef: {  	_ =	sfence.sel $0x180000  }
0xf0: {  	[bflag:$0x0] =	sbarrier.arrive $0xFFFF  }
0xf1: {  	_ =	strace $0x90000047  }
0xf2: {  	[bflag:$0x2] =	sbarrier.arrive $0xFFFF  }
0xf3: {  	s0 =	rddreg [dreg:$0x5]  }
0xf4: {  	s0 =	sadd.s32 @!p1 $0x100000, s0  }
0xf5: {  	[sflag:s0] =	ssyncadd.tile.s32 @!p1 $0x1;
	_ =	shalt  }
.Lfunc_end2:
_tile_overlayer_lowered:
.L_overlay_start_2:
0xf6: {  	(tag) =	ssettag $0x2  }
0xf7: {  	s0 =	rddreg [dreg:$0x0];
	s2 =	stileid.u32  }
0xf8: {  	s1 =	rddreg [dreg:$0x1];
	p0 =	sne.s32 s2, $0x0  }
0xf9: {  	s3 =	rddreg [dreg:$0x2];
	[bflag:$0x3] =	sbarrier.arrive $0xFFFF;
	s2 =	simm.s32 @!p0 $0x1C02  }
0xfa: {  	[timem:s3], [sflag:s2] =	dma.local @!p0 [hbm:s0], s1  }
0xfb: {  	s0 =	simm.s32 @!p0 $0x2  }
0xfc: {  	_ =	swait.ge @!p0 [sflag:s0], s1  }
0xfd: {  	s1 =	ssub.s32 @!p0 $0x0, s1;
	[sflag:s0] =	ssyncset.done @!p0 $0x0  }
0xfe: {  	[sflag:s0] =	ssyncadd.s32 @!p0 s1  }
0xff: {  	[bflag:$0x3] =	sbarrier.arrive $0xFFFF  }
0x100: {  	_ =	shalt  }

</sc_bundles>
